<compile_context>
chip_gen: v7x
topology: tpu7x:2x2x1
jax: 0.10.2.dev20260603
libtpu: 0.0.44.dev20260713+nightly
codegen_flags: <defaults>
</compile_context>

<pallas_src>
import jax
import jax.numpy as jnp
from jax import lax
from jax.experimental import pallas as pl
from jax.experimental.pallas import tpu as pltpu
from jax.experimental.pallas import tpu_sc as plsc

_NC = 2
_NS = 16
_NW = _NC * _NS
_B = 16384
_D = 64
_BPW = _B // _NW
_BLK = 16
_NBLK = _BPW // _BLK
_DEPTH = 8


def _gather_body(utab, itab, uidx, iidx, ue_out, ie_out,
                 uidx_v, iidx_v, urows_v, irows_v, usem, isem):
    wid = lax.axis_index("s") * _NC + lax.axis_index("c")
    base = wid * _BPW
    pltpu.sync_copy(uidx.at[wid], uidx_v)
    pltpu.sync_copy(iidx.at[wid], iidx_v)

    half = _BPW // 2
    for p in range(2):
        off = p * half

        def step(g, _):
            uvec = uidx_v[pl.ds(off + g * _BLK, _BLK)]
            ivec = iidx_v[pl.ds(off + g * _BLK, _BLK)]
            for k in range(_BLK):
                pltpu.async_copy(utab.at[pl.ds(uvec[k], 1)],
                                 urows_v.at[pl.ds(g * _BLK + k, 1)], usem)
                pltpu.async_copy(itab.at[pl.ds(ivec[k], 1)],
                                 irows_v.at[pl.ds(g * _BLK + k, 1)], isem)
            return ()

        lax.fori_loop(0, _NBLK // 2, step, ())

        pltpu.make_async_copy(utab.at[pl.ds(0, half)], urows_v, usem).wait()
        pltpu.make_async_copy(itab.at[pl.ds(0, half)], irows_v, isem).wait()
        pltpu.sync_copy(urows_v, ue_out.at[pl.ds(base + off, half)])
        pltpu.sync_copy(irows_v, ie_out.at[pl.ds(base + off, half)])


def _make_gather():
    return pl.kernel(
        _gather_body,
        out_type=(jax.ShapeDtypeStruct((_B, _D), jnp.float32),
                  jax.ShapeDtypeStruct((_B, _D), jnp.float32)),
        mesh=plsc.VectorSubcoreMesh(core_axis_name="c", subcore_axis_name="s",
                                    num_cores=_NC, num_subcores=_NS),
        scratch_types=[
            pltpu.VMEM((_BPW,), jnp.int32),
            pltpu.VMEM((_BPW,), jnp.int32),
            pltpu.VMEM((_BPW // 2, _D), jnp.float32),
            pltpu.VMEM((_BPW // 2, _D), jnp.float32),
            pltpu.SemaphoreType.DMA,
            pltpu.SemaphoreType.DMA,
        ],
    )


def _mlp_body(ue, ie, w1u, w1i, b1, g1, be1,
              w2, b2, g2, be2, w3, b3, out):
    h = jnp.dot(ue[...], w1u[...], preferred_element_type=jnp.float32)
    h = h + jnp.dot(ie[...], w1i[...], preferred_element_type=jnp.float32)
    h = h + b1[...]
    m = jnp.mean(h, axis=0, keepdims=True)
    v = jnp.mean(jnp.square(h - m), axis=0, keepdims=True)
    h = (h - m) * lax.rsqrt(v + 1e-5) * g1[...] + be1[...]
    h = jnp.maximum(h, 0.0)
    h2 = jnp.dot(h, w2[...], preferred_element_type=jnp.float32) + b2[...]
    m2 = jnp.mean(h2, axis=0, keepdims=True)
    v2 = jnp.mean(jnp.square(h2 - m2), axis=0, keepdims=True)
    h2 = (h2 - m2) * lax.rsqrt(v2 + 1e-5) * g2[...] + be2[...]
    h2 = jnp.maximum(h2, 0.0)
    z = jnp.sum(h2 * w3[...], axis=1) + b3[0, 0]
    out[...] = jax.nn.sigmoid(z)


def _mlp(*args):
    return pl.pallas_call(
        _mlp_body,
        out_shape=jax.ShapeDtypeStruct((_B,), jnp.float32),
        compiler_params=pltpu.CompilerParams(vmem_limit_bytes=100 * 1024 * 1024),
    )(*args)


def kernel(users, items, user_table, item_table,
           W1, b1, g1, be1, W2, b2, g2, be2, W3, b3):
    uidx = users.reshape(_NW, _BPW)
    iidx = items.reshape(_NW, _BPW)
    ue, ie = _make_gather()(user_table, item_table, uidx, iidx)
    w1u = W1[:, :_D].T
    w1i = W1[:, _D:].T
    return _mlp(ue, ie, w1u, w1i,
                b1.reshape(1, -1), g1.reshape(1, -1), be1.reshape(1, -1),
                W2.T, b2.reshape(1, -1), g2.reshape(1, -1), be2.reshape(1, -1),
                W3, b3.reshape(1, 1))

# --- scband reference (transcript-rebuilt; emitter-appended) ---
"""Pipeline reference for scband-neural-cf-7241314861431 (READ-ONLY COPY).

The authoritative reference and input builder live on the scoring server;
editing this copy changes nothing except your own understanding.
"""

import jax, jax.numpy as jnp
import numpy as np


def _bn(h, g, b, eps=1e-5):
    # BatchNorm1d in training mode: batch statistics (biased variance)
    m = jnp.mean(h, axis=0)
    v = jnp.var(h, axis=0)
    return (h - m) / jnp.sqrt(v + eps) * g + b


def setup_inputs(seed: int = 0) -> dict:
    key = jax.random.key(seed)
    ks = jax.random.split(key, 12)
    n_users, n_items, d, B = 1000000, 1000000, 64, 16384
    users = jax.random.randint(ks[0], (B,), 0, n_users, dtype=jnp.int32)
    items = jax.random.randint(ks[1], (B,), 0, n_items, dtype=jnp.int32)
    user_table = jax.random.normal(ks[2], (n_users, d), dtype=jnp.float32) * 0.01
    item_table = jax.random.normal(ks[3], (n_items, d), dtype=jnp.float32) * 0.01
    W1 = jax.random.normal(ks[4], (128, 128), dtype=jnp.float32) * (1.0 / np.sqrt(128))
    b1 = jnp.zeros((128,), jnp.float32)
    g1 = jnp.ones((128,), jnp.float32)
    be1 = jnp.zeros((128,), jnp.float32)
    W2 = jax.random.normal(ks[5], (64, 128), dtype=jnp.float32) * (1.0 / np.sqrt(128))
    b2 = jnp.zeros((64,), jnp.float32)
    g2 = jnp.ones((64,), jnp.float32)
    be2 = jnp.zeros((64,), jnp.float32)
    W3 = jax.random.normal(ks[6], (1, 64), dtype=jnp.float32) * (1.0 / np.sqrt(64))
    b3 = jnp.zeros((1,), jnp.float32)
    return dict(users=users, items=items, user_table=user_table, item_table=item_table,
                W1=W1, b1=b1, g1=g1, be1=be1, W2=W2, b2=b2, g2=g2, be2=be2, W3=W3, b3=b3)


def reference(users, items, user_table, item_table, W1, b1, g1, be1, W2, b2, g2, be2, W3, b3):
    ue = jnp.take(user_table, users, axis=0)
    ie = jnp.take(item_table, items, axis=0)
    x = jnp.concatenate([ue, ie], axis=-1)
    h = x @ W1.T + b1
    h = jax.nn.relu(_bn(h, g1, be1))
    h = h @ W2.T + b2
    h = jax.nn.relu(_bn(h, g2, be2))
    out = jax.nn.sigmoid(h @ W3.T + b3)
    return out.squeeze(-1)

if __name__ == "__main__":
    import jax
    _d = setup_inputs()
    print(jax.jit(kernel)(*tuple(_d.values())))

</pallas_src>

<mosaic_0001>
#map = affine_map<(d0, d1) -> (0, 0)>
module attributes {stable_mosaic.version = 14 : i64} {
  func.func @_gather_body(%arg0: i32, %arg1: i32, %arg2: memref<1000000x64xf32, #tpu.memory_space<hbm>>, %arg3: memref<1000000x64xf32, #tpu.memory_space<hbm>>, %arg4: memref<32x512xi32, #tpu.memory_space<hbm>>, %arg5: memref<32x512xi32, #tpu.memory_space<hbm>>, %arg6: memref<16384x64xf32, #tpu.memory_space<hbm>>, %arg7: memref<16384x64xf32, #tpu.memory_space<hbm>>, %arg8: memref<512xi32, #tpu.memory_space<vmem>>, %arg9: memref<512xi32, #tpu.memory_space<vmem>>, %arg10: memref<256x64xf32, #tpu.memory_space<vmem>>, %arg11: memref<256x64xf32, #tpu.memory_space<vmem>>, %arg12: memref<!tpu.dma_semaphore, #tpu.memory_space<semaphore_mem>>, %arg13: memref<!tpu.dma_semaphore, #tpu.memory_space<semaphore_mem>>) attributes {dimension_semantics = [#tpu.dimension_semantics<core_parallel>, #tpu.dimension_semantics<subcore_parallel>], iteration_bounds = array<i64: 2, 16>, scalar_prefetch = 0 : i64, scratch_operands = 6 : i64, tpu.core_type = #tpu.core_type<sc_vector_subcore>, window_params = [{transform_indices = #map}, {transform_indices = #map}, {transform_indices = #map}, {transform_indices = #map}, {transform_indices = #map}, {transform_indices = #map}]} {
    %mul3A = arith.constant 2 : i32
    %mul3A_0 = arith.muli %arg1, %mul3A : i32
    %add3A = arith.addi %mul3A_0, %arg0 : i32
    %mul3A_1 = arith.constant 512 : i32
    %mul3A_2 = arith.muli %add3A, %mul3A_1 : i32
    "tpu.region"() ({
      %run_scoped3A = tpu.sem_alloc : memref<!tpu.dma_semaphore, #tpu.memory_space<semaphore_mem>>
      %dma_start3A = arith.constant 0 : i32
      %dma_start3A_43 = tpu.memref_slice %arg4[%add3A, %dma_start3A] : memref<32x512xi32, #tpu.memory_space<hbm>> -> memref<1x512xi32, #tpu.memory_space<hbm>>
      %dma_start3A_44 = tpu.memref_squeeze %dma_start3A_43 : memref<1x512xi32, #tpu.memory_space<hbm>> -> memref<512xi32, #tpu.memory_space<hbm>>
      %dma_start3A_45 = arith.constant 0 : i32
      %dma_start3A_46 = tpu.memref_slice %arg4[%add3A, %dma_start3A_45] : memref<32x512xi32, #tpu.memory_space<hbm>> -> memref<1x512xi32, #tpu.memory_space<hbm>>
      %dma_start3A_47 = tpu.memref_squeeze %dma_start3A_46 : memref<1x512xi32, #tpu.memory_space<hbm>> -> memref<512xi32, #tpu.memory_space<hbm>>
      tpu.enqueue_dma source(%dma_start3A_47 : memref<512xi32, #tpu.memory_space<hbm>>) target(%arg8 : memref<512xi32, #tpu.memory_space<vmem>>) target_semaphore(%run_scoped3A : memref<!tpu.dma_semaphore, #tpu.memory_space<semaphore_mem>>)
      %dma_wait3A_48 = arith.constant 0 : i32
      %dma_wait3A_49 = tpu.memref_slice %arg4[%add3A, %dma_wait3A_48] : memref<32x512xi32, #tpu.memory_space<hbm>> -> memref<1x512xi32, #tpu.memory_space<hbm>>
      %dma_wait3A_50 = tpu.memref_squeeze %dma_wait3A_49 : memref<1x512xi32, #tpu.memory_space<hbm>> -> memref<512xi32, #tpu.memory_space<hbm>>
      %dma_wait3A_51 = arith.constant 0 : i32
      %dma_wait3A_52 = tpu.memref_slice %arg4[%add3A, %dma_wait3A_51] : memref<32x512xi32, #tpu.memory_space<hbm>> -> memref<1x512xi32, #tpu.memory_space<hbm>>
      %dma_wait3A_53 = tpu.memref_squeeze %dma_wait3A_52 : memref<1x512xi32, #tpu.memory_space<hbm>> -> memref<512xi32, #tpu.memory_space<hbm>>
      tpu.wait_dma2 semaphore(%run_scoped3A : memref<!tpu.dma_semaphore, #tpu.memory_space<semaphore_mem>>) src(%dma_wait3A_53 : memref<512xi32, #tpu.memory_space<hbm>>) dst(%arg8 : memref<512xi32, #tpu.memory_space<vmem>>)
      tpu.yield
    }) : () -> ()
    "tpu.region"() ({
      %run_scoped3A = tpu.sem_alloc : memref<!tpu.dma_semaphore, #tpu.memory_space<semaphore_mem>>
      %dma_start3A = arith.constant 0 : i32
      %dma_start3A_43 = tpu.memref_slice %arg5[%add3A, %dma_start3A] : memref<32x512xi32, #tpu.memory_space<hbm>> -> memref<1x512xi32, #tpu.memory_space<hbm>>
      %dma_start3A_44 = tpu.memref_squeeze %dma_start3A_43 : memref<1x512xi32, #tpu.memory_space<hbm>> -> memref<512xi32, #tpu.memory_space<hbm>>
      %dma_start3A_45 = arith.constant 0 : i32
      %dma_start3A_46 = tpu.memref_slice %arg5[%add3A, %dma_start3A_45] : memref<32x512xi32, #tpu.memory_space<hbm>> -> memref<1x512xi32, #tpu.memory_space<hbm>>
      %dma_start3A_47 = tpu.memref_squeeze %dma_start3A_46 : memref<1x512xi32, #tpu.memory_space<hbm>> -> memref<512xi32, #tpu.memory_space<hbm>>
      tpu.enqueue_dma source(%dma_start3A_47 : memref<512xi32, #tpu.memory_space<hbm>>) target(%arg9 : memref<512xi32, #tpu.memory_space<vmem>>) target_semaphore(%run_scoped3A : memref<!tpu.dma_semaphore, #tpu.memory_space<semaphore_mem>>)
      %dma_wait3A_48 = arith.constant 0 : i32
      %dma_wait3A_49 = tpu.memref_slice %arg5[%add3A, %dma_wait3A_48] : memref<32x512xi32, #tpu.memory_space<hbm>> -> memref<1x512xi32, #tpu.memory_space<hbm>>
      %dma_wait3A_50 = tpu.memref_squeeze %dma_wait3A_49 : memref<1x512xi32, #tpu.memory_space<hbm>> -> memref<512xi32, #tpu.memory_space<hbm>>
      %dma_wait3A_51 = arith.constant 0 : i32
      %dma_wait3A_52 = tpu.memref_slice %arg5[%add3A, %dma_wait3A_51] : memref<32x512xi32, #tpu.memory_space<hbm>> -> memref<1x512xi32, #tpu.memory_space<hbm>>
      %dma_wait3A_53 = tpu.memref_squeeze %dma_wait3A_52 : memref<1x512xi32, #tpu.memory_space<hbm>> -> memref<512xi32, #tpu.memory_space<hbm>>
      tpu.wait_dma2 semaphore(%run_scoped3A : memref<!tpu.dma_semaphore, #tpu.memory_space<semaphore_mem>>) src(%dma_wait3A_53 : memref<512xi32, #tpu.memory_space<hbm>>) dst(%arg9 : memref<512xi32, #tpu.memory_space<vmem>>)
      tpu.yield
    }) : () -> ()
    %scan3A = arith.constant 0 : i32
    %scan3A_3 = arith.constant 16 : i32
    %scan3A_4 = arith.addi %scan3A, %scan3A_3 : i32
    %scan3A_5 = arith.constant 1 : i32
    scf.for %scan3A_43 = %scan3A to %scan3A_4 step %scan3A_5  : i32 {
      %mul3A_44 = arith.constant 16 : i32
      %mul3A_45 = arith.muli %scan3A_43, %mul3A_44 : i32
      %add3A_46 = arith.constant 0 : i32
      %add3A_47 = arith.addi %add3A_46, %mul3A_45 : i32
      %get3A = arith.index_cast %add3A_47 : i32 to index
      %get3A_48 = tpu.vector_load %arg8[%get3A] {strides = array<i32>} : memref<512xi32, #tpu.memory_space<vmem>>, vector<16xi32>,
      %get3A_49 = vector.shape_cast %get3A_48 : vector<16xi32> to vector<16xi32>
      %mul3A_50 = arith.constant 16 : i32
      %mul3A_51 = arith.muli %scan3A_43, %mul3A_50 : i32
      %add3A_52 = arith.constant 0 : i32
      %add3A_53 = arith.addi %add3A_52, %mul3A_51 : i32
      %get3A_54 = arith.index_cast %add3A_53 : i32 to index
      %get3A_55 = tpu.vector_load %arg9[%get3A_54] {strides = array<i32>} : memref<512xi32, #tpu.memory_space<vmem>>, vector<16xi32>,
      %get3A_56 = vector.shape_cast %get3A_55 : vector<16xi32> to vector<16xi32>
      %slice3A = vector.extract_strided_slice %get3A_49 {offsets = [0], sizes = [1], strides = [1]} : vector<16xi32> to vector<1xi32>
      %squeeze3A = vector.extract %slice3A[0] : i32 from vector<1xi32>
      %mul3A_57 = arith.constant 16 : i32
      %mul3A_58 = arith.muli %scan3A_43, %mul3A_57 : i32
      %add3A_59 = arith.constant 0 : i32
      %add3A_60 = arith.addi %mul3A_58, %add3A_59 : i32
      %dma_start3A = arith.constant 0 : i32
      %dma_start3A_61 = tpu.memref_slice %arg10[%add3A_60, %dma_start3A] : memref<256x64xf32, #tpu.memory_space<vmem>> -> memref<1x64xf32, #tpu.memory_space<vmem>>
      %dma_start3A_62 = arith.constant 0 : i32
      %dma_start3A_63 = tpu.memref_slice %arg2[%squeeze3A, %dma_start3A_62] : memref<1000000x64xf32, #tpu.memory_space<hbm>> -> memref<1x64xf32, #tpu.memory_space<hbm>>
      %dma_start3A_64 = arith.constant 0 : i32
      %dma_start3A_65 = tpu.memref_slice %arg10[%add3A_60, %dma_start3A_64] : memref<256x64xf32, #tpu.memory_space<vmem>> -> memref<1x64xf32, #tpu.memory_space<vmem>>
      %dma_start3A_66 = arith.constant 0 : i32
      %dma_start3A_67 = tpu.memref_slice %arg2[%squeeze3A, %dma_start3A_66] : memref<1000000x64xf32, #tpu.memory_space<hbm>> -> memref<1x64xf32, #tpu.memory_space<hbm>>
      tpu.enqueue_dma source(%dma_start3A_67 : memref<1x64xf32, #tpu.memory_space<hbm>>) target(%dma_start3A_65 : memref<1x64xf32, #tpu.memory_space<vmem>>) target_semaphore(%arg12 : memref<!tpu.dma_semaphore, #tpu.memory_space<semaphore_mem>>)
      %slice3A_68 = vector.extract_strided_slice %get3A_56 {offsets = [0], sizes = [1], strides = [1]} : vector<16xi32> to vector<1xi32>
      %squeeze3A_69 = vector.extract %slice3A_68[0] : i32 from vector<1xi32>
      %mul3A_70 = arith.constant 16 : i32
      %mul3A_71 = arith.muli %scan3A_43, %mul3A_70 : i32
      %add3A_72 = arith.constant 0 : i32
      %add3A_73 = arith.addi %mul3A_71, %add3A_72 : i32
      %dma_start3A_74 = arith.constant 0 : i32
      %dma_start3A_75 = tpu.memref_slice %arg11[%add3A_73, %dma_start3A_74] : memref<256x64xf32, #tpu.memory_space<vmem>> -> memref<1x64xf32, #tpu.memory_space<vmem>>
      %dma_start3A_76 = arith.constant 0 : i32
      %dma_start3A_77 = tpu.memref_slice %arg3[%squeeze3A_69, %dma_start3A_76] : memref<1000000x64xf32, #tpu.memory_space<hbm>> -> memref<1x64xf32, #tpu.memory_space<hbm>>
      %dma_start3A_78 = arith.constant 0 : i32
      %dma_start3A_79 = tpu.memref_slice %arg11[%add3A_73, %dma_start3A_78] : memref<256x64xf32, #tpu.memory_space<vmem>> -> memref<1x64xf32, #tpu.memory_space<vmem>>
      %dma_start3A_80 = arith.constant 0 : i32
      %dma_start3A_81 = tpu.memref_slice %arg3[%squeeze3A_69, %dma_start3A_80] : memref<1000000x64xf32, #tpu.memory_space<hbm>> -> memref<1x64xf32, #tpu.memory_space<hbm>>
      tpu.enqueue_dma source(%dma_start3A_81 : memref<1x64xf32, #tpu.memory_space<hbm>>) target(%dma_start3A_79 : memref<1x64xf32, #tpu.memory_space<vmem>>) target_semaphore(%arg13 : memref<!tpu.dma_semaphore, #tpu.memory_space<semaphore_mem>>)
      %slice3A_82 = vector.extract_strided_slice %get3A_49 {offsets = [1], sizes = [1], strides = [1]} : vector<16xi32> to vector<1xi32>
      %squeeze3A_83 = vector.extract %slice3A_82[0] : i32 from vector<1xi32>
      %mul3A_84 = arith.constant 16 : i32
      %mul3A_85 = arith.muli %scan3A_43, %mul3A_84 : i32
      %add3A_86 = arith.constant 1 : i32
      %add3A_87 = arith.addi %mul3A_85, %add3A_86 : i32
      %dma_start3A_88 = arith.constant 0 : i32
      %dma_start3A_89 = tpu.memref_slice %arg10[%add3A_87, %dma_start3A_88] : memref<256x64xf32, #tpu.memory_space<vmem>> -> memref<1x64xf32, #tpu.memory_space<vmem>>
      %dma_start3A_90 = arith.constant 0 : i32
      %dma_start3A_91 = tpu.memref_slice %arg2[%squeeze3A_83, %dma_start3A_90] : memref<1000000x64xf32, #tpu.memory_space<hbm>> -> memref<1x64xf32, #tpu.memory_space<hbm>>
      %dma_start3A_92 = arith.constant 0 : i32
      %dma_start3A_93 = tpu.memref_slice %arg10[%add3A_87, %dma_start3A_92] : memref<256x64xf32, #tpu.memory_space<vmem>> -> memref<1x64xf32, #tpu.memory_space<vmem>>
      %dma_start3A_94 = arith.constant 0 : i32
      %dma_start3A_95 = tpu.memref_slice %arg2[%squeeze3A_83, %dma_start3A_94] : memref<1000000x64xf32, #tpu.memory_space<hbm>> -> memref<1x64xf32, #tpu.memory_space<hbm>>
      tpu.enqueue_dma source(%dma_start3A_95 : memref<1x64xf32, #tpu.memory_space<hbm>>) target(%dma_start3A_93 : memref<1x64xf32, #tpu.memory_space<vmem>>) target_semaphore(%arg12 : memref<!tpu.dma_semaphore, #tpu.memory_space<semaphore_mem>>)
      %slice3A_96 = vector.extract_strided_slice %get3A_56 {offsets = [1], sizes = [1], strides = [1]} : vector<16xi32> to vector<1xi32>
      %squeeze3A_97 = vector.extract %slice3A_96[0] : i32 from vector<1xi32>
      %mul3A_98 = arith.constant 16 : i32
      %mul3A_99 = arith.muli %scan3A_43, %mul3A_98 : i32
      %add3A_100 = arith.constant 1 : i32
      %add3A_101 = arith.addi %mul3A_99, %add3A_100 : i32
      %dma_start3A_102 = arith.constant 0 : i32
      %dma_start3A_103 = tpu.memref_slice %arg11[%add3A_101, %dma_start3A_102] : memref<256x64xf32, #tpu.memory_space<vmem>> -> memref<1x64xf32, #tpu.memory_space<vmem>>
      %dma_start3A_104 = arith.constant 0 : i32
      %dma_start3A_105 = tpu.memref_slice %arg3[%squeeze3A_97, %dma_start3A_104] : memref<1000000x64xf32, #tpu.memory_space<hbm>> -> memref<1x64xf32, #tpu.memory_space<hbm>>
      %dma_start3A_106 = arith.constant 0 : i32
      %dma_start3A_107 = tpu.memref_slice %arg11[%add3A_101, %dma_start3A_106] : memref<256x64xf32, #tpu.memory_space<vmem>> -> memref<1x64xf32, #tpu.memory_space<vmem>>
      %dma_start3A_108 = arith.constant 0 : i32
      %dma_start3A_109 = tpu.memref_slice %arg3[%squeeze3A_97, %dma_start3A_108] : memref<1000000x64xf32, #tpu.memory_space<hbm>> -> memref<1x64xf32, #tpu.memory_space<hbm>>
      tpu.enqueue_dma source(%dma_start3A_109 : memref<1x64xf32, #tpu.memory_space<hbm>>) target(%dma_start3A_107 : memref<1x64xf32, #tpu.memory_space<vmem>>) target_semaphore(%arg13 : memref<!tpu.dma_semaphore, #tpu.memory_space<semaphore_mem>>)
      %slice3A_110 = vector.extract_strided_slice %get3A_49 {offsets = [2], sizes = [1], strides = [1]} : vector<16xi32> to vector<1xi32>
      %squeeze3A_111 = vector.extract %slice3A_110[0] : i32 from vector<1xi32>
      %mul3A_112 = arith.constant 16 : i32
      %mul3A_113 = arith.muli %scan3A_43, %mul3A_112 : i32
      %add3A_114 = arith.constant 2 : i32
      %add3A_115 = arith.addi %mul3A_113, %add3A_114 : i32
      %dma_start3A_116 = arith.constant 0 : i32
      %dma_start3A_117 = tpu.memref_slice %arg10[%add3A_115, %dma_start3A_116] : memref<256x64xf32, #tpu.memory_space<vmem>> -> memref<1x64xf32, #tpu.memory_space<vmem>>
      %dma_start3A_118 = arith.constant 0 : i32
      %dma_start3A_119 = tpu.memref_slice %arg2[%squeeze3A_111, %dma_start3A_118] : memref<1000000x64xf32, #tpu.memory_space<hbm>> -> memref<1x64xf32, #tpu.memory_space<hbm>>
      %dma_start3A_120 = arith.constant 0 : i32
      %dma_start3A_121 = tpu.memref_slice %arg10[%add3A_115, %dma_start3A_120] : memref<256x64xf32, #tpu.memory_space<vmem>> -> memref<1x64xf32, #tpu.memory_space<vmem>>
      %dma_start3A_122 = arith.constant 0 : i32
      %dma_start3A_123 = tpu.memref_slice %arg2[%squeeze3A_111, %dma_start3A_122] : memref<1000000x64xf32, #tpu.memory_space<hbm>> -> memref<1x64xf32, #tpu.memory_space<hbm>>
      tpu.enqueue_dma source(%dma_start3A_123 : memref<1x64xf32, #tpu.memory_space<hbm>>) target(%dma_start3A_121 : memref<1x64xf32, #tpu.memory_space<vmem>>) target_semaphore(%arg12 : memref<!tpu.dma_semaphore, #tpu.memory_space<semaphore_mem>>)
      %slice3A_124 = vector.extract_strided_slice %get3A_56 {offsets = [2], sizes = [1], strides = [1]} : vector<16xi32> to vector<1xi32>
      %squeeze3A_125 = vector.extract %slice3A_124[0] : i32 from vector<1xi32>
      %mul3A_126 = arith.constant 16 : i32
      %mul3A_127 = arith.muli %scan3A_43, %mul3A_126 : i32
      %add3A_128 = arith.constant 2 : i32
      %add3A_129 = arith.addi %mul3A_127, %add3A_128 : i32
      %dma_start3A_130 = arith.constant 0 : i32
      %dma_start3A_131 = tpu.memref_slice %arg11[%add3A_129, %dma_start3A_130] : memref<256x64xf32, #tpu.memory_space<vmem>> -> memref<1x64xf32, #tpu.memory_space<vmem>>
      %dma_start3A_132 = arith.constant 0 : i32
      %dma_start3A_133 = tpu.memref_slice %arg3[%squeeze3A_125, %dma_start3A_132] : memref<1000000x64xf32, #tpu.memory_space<hbm>> -> memref<1x64xf32, #tpu.memory_space<hbm>>
      %dma_start3A_134 = arith.constant 0 : i32
      %dma_start3A_135 = tpu.memref_slice %arg11[%add3A_129, %dma_start3A_134] : memref<256x64xf32, #tpu.memory_space<vmem>> -> memref<1x64xf32, #tpu.memory_space<vmem>>
      %dma_start3A_136 = arith.constant 0 : i32
      %dma_start3A_137 = tpu.memref_slice %arg3[%squeeze3A_125, %dma_start3A_136] : memref<1000000x64xf32, #tpu.memory_space<hbm>> -> memref<1x64xf32, #tpu.memory_space<hbm>>
      tpu.enqueue_dma source(%dma_start3A_137 : memref<1x64xf32, #tpu.memory_space<hbm>>) target(%dma_start3A_135 : memref<1x64xf32, #tpu.memory_space<vmem>>) target_semaphore(%arg13 : memref<!tpu.dma_semaphore, #tpu.memory_space<semaphore_mem>>)
      %slice3A_138 = vector.extract_strided_slice %get3A_49 {offsets = [3], sizes = [1], strides = [1]} : vector<16xi32> to vector<1xi32>
      %squeeze3A_139 = vector.extract %slice3A_138[0] : i32 from vector<1xi32>
      %mul3A_140 = arith.constant 16 : i32
      %mul3A_141 = arith.muli %scan3A_43, %mul3A_140 : i32
      %add3A_142 = arith.constant 3 : i32
      %add3A_143 = arith.addi %mul3A_141, %add3A_142 : i32
      %dma_start3A_144 = arith.constant 0 : i32
      %dma_start3A_145 = tpu.memref_slice %arg10[%add3A_143, %dma_start3A_144] : memref<256x64xf32, #tpu.memory_space<vmem>> -> memref<1x64xf32, #tpu.memory_space<vmem>>
      %dma_start3A_146 = arith.constant 0 : i32
      %dma_start3A_147 = tpu.memref_slice %arg2[%squeeze3A_139, %dma_start3A_146] : memref<1000000x64xf32, #tpu.memory_space<hbm>> -> memref<1x64xf32, #tpu.memory_space<hbm>>
      %dma_start3A_148 = arith.constant 0 : i32
      %dma_start3A_149 = tpu.memref_slice %arg10[%add3A_143, %dma_start3A_148] : memref<256x64xf32, #tpu.memory_space<vmem>> -> memref<1x64xf32, #tpu.memory_space<vmem>>
      %dma_start3A_150 = arith.constant 0 : i32
      %dma_start3A_151 = tpu.memref_slice %arg2[%squeeze3A_139, %dma_start3A_150] : memref<1000000x64xf32, #tpu.memory_space<hbm>> -> memref<1x64xf32, #tpu.memory_space<hbm>>
      tpu.enqueue_dma source(%dma_start3A_151 : memref<1x64xf32, #tpu.memory_space<hbm>>) target(%dma_start3A_149 : memref<1x64xf32, #tpu.memory_space<vmem>>) target_semaphore(%arg12 : memref<!tpu.dma_semaphore, #tpu.memory_space<semaphore_mem>>)
      %slice3A_152 = vector.extract_strided_slice %get3A_56 {offsets = [3], sizes = [1], strides = [1]} : vector<16xi32> to vector<1xi32>
      %squeeze3A_153 = vector.extract %slice3A_152[0] : i32 from vector<1xi32>
      %mul3A_154 = arith.constant 16 : i32
      %mul3A_155 = arith.muli %scan3A_43, %mul3A_154 : i32
      %add3A_156 = arith.constant 3 : i32
      %add3A_157 = arith.addi %mul3A_155, %add3A_156 : i32
      %dma_start3A_158 = arith.constant 0 : i32
      %dma_start3A_159 = tpu.memref_slice %arg11[%add3A_157, %dma_start3A_158] : memref<256x64xf32, #tpu.memory_space<vmem>> -> memref<1x64xf32, #tpu.memory_space<vmem>>
      %dma_start3A_160 = arith.constant 0 : i32
      %dma_start3A_161 = tpu.memref_slice %arg3[%squeeze3A_153, %dma_start3A_160] : memref<1000000x64xf32, #tpu.memory_space<hbm>> -> memref<1x64xf32, #tpu.memory_space<hbm>>
      %dma_start3A_162 = arith.constant 0 : i32
      %dma_start3A_163 = tpu.memref_slice %arg11[%add3A_157, %dma_start3A_162] : memref<256x64xf32, #tpu.memory_space<vmem>> -> memref<1x64xf32, #tpu.memory_space<vmem>>
      %dma_start3A_164 = arith.constant 0 : i32
      %dma_start3A_165 = tpu.memref_slice %arg3[%squeeze3A_153, %dma_start3A_164] : memref<1000000x64xf32, #tpu.memory_space<hbm>> -> memref<1x64xf32, #tpu.memory_space<hbm>>
      tpu.enqueue_dma source(%dma_start3A_165 : memref<1x64xf32, #tpu.memory_space<hbm>>) target(%dma_start3A_163 : memref<1x64xf32, #tpu.memory_space<vmem>>) target_semaphore(%arg13 : memref<!tpu.dma_semaphore, #tpu.memory_space<semaphore_mem>>)
      %slice3A_166 = vector.extract_strided_slice %get3A_49 {offsets = [4], sizes = [1], strides = [1]} : vector<16xi32> to vector<1xi32>
      %squeeze3A_167 = vector.extract %slice3A_166[0] : i32 from vector<1xi32>
      %mul3A_168 = arith.constant 16 : i32
      %mul3A_169 = arith.muli %scan3A_43, %mul3A_168 : i32
      %add3A_170 = arith.constant 4 : i32
      %add3A_171 = arith.addi %mul3A_169, %add3A_170 : i32
      %dma_start3A_172 = arith.constant 0 : i32
      %dma_start3A_173 = tpu.memref_slice %arg10[%add3A_171, %dma_start3A_172] : memref<256x64xf32, #tpu.memory_space<vmem>> -> memref<1x64xf32, #tpu.memory_space<vmem>>
      %dma_start3A_174 = arith.constant 0 : i32
      %dma_start3A_175 = tpu.memref_slice %arg2[%squeeze3A_167, %dma_start3A_174] : memref<1000000x64xf32, #tpu.memory_space<hbm>> -> memref<1x64xf32, #tpu.memory_space<hbm>>
      %dma_start3A_176 = arith.constant 0 : i32
      %dma_start3A_177 = tpu.memref_slice %arg10[%add3A_171, %dma_start3A_176] : memref<256x64xf32, #tpu.memory_space<vmem>> -> memref<1x64xf32, #tpu.memory_space<vmem>>
      %dma_start3A_178 = arith.constant 0 : i32
      %dma_start3A_179 = tpu.memref_slice %arg2[%squeeze3A_167, %dma_start3A_178] : memref<1000000x64xf32, #tpu.memory_space<hbm>> -> memref<1x64xf32, #tpu.memory_space<hbm>>
      tpu.enqueue_dma source(%dma_start3A_179 : memref<1x64xf32, #tpu.memory_space<hbm>>) target(%dma_start3A_177 : memref<1x64xf32, #tpu.memory_space<vmem>>) target_semaphore(%arg12 : memref<!tpu.dma_semaphore, #tpu.memory_space<semaphore_mem>>)
      %slice3A_180 = vector.extract_strided_slice %get3A_56 {offsets = [4], sizes = [1], strides = [1]} : vector<16xi32> to vector<1xi32>
      %squeeze3A_181 = vector.extract %slice3A_180[0] : i32 from vector<1xi32>
      %mul3A_182 = arith.constant 16 : i32
      %mul3A_183 = arith.muli %scan3A_43, %mul3A_182 : i32
      %add3A_184 = arith.constant 4 : i32
      %add3A_185 = arith.addi %mul3A_183, %add3A_184 : i32
      %dma_start3A_186 = arith.constant 0 : i32
      %dma_start3A_187 = tpu.memref_slice %arg11[%add3A_185, %dma_start3A_186] : memref<256x64xf32, #tpu.memory_space<vmem>> -> memref<1x64xf32, #tpu.memory_space<vmem>>
      %dma_start3A_188 = arith.constant 0 : i32
      %dma_start3A_189 = tpu.memref_slice %arg3[%squeeze3A_181, %dma_start3A_188] : memref<1000000x64xf32, #tpu.memory_space<hbm>> -> memref<1x64xf32, #tpu.memory_space<hbm>>
      %dma_start3A_190 = arith.constant 0 : i32
      %dma_start3A_191 = tpu.memref_slice %arg11[%add3A_185, %dma_start3A_190] : memref<256x64xf32, #tpu.memory_space<vmem>> -> memref<1x64xf32, #tpu.memory_space<vmem>>
      %dma_start3A_192 = arith.constant 0 : i32
      %dma_start3A_193 = tpu.memref_slice %arg3[%squeeze3A_181, %dma_start3A_192] : memref<1000000x64xf32, #tpu.memory_space<hbm>> -> memref<1x64xf32, #tpu.memory_space<hbm>>
      tpu.enqueue_dma source(%dma_start3A_193 : memref<1x64xf32, #tpu.memory_space<hbm>>) target(%dma_start3A_191 : memref<1x64xf32, #tpu.memory_space<vmem>>) target_semaphore(%arg13 : memref<!tpu.dma_semaphore, #tpu.memory_space<semaphore_mem>>)
      %slice3A_194 = vector.extract_strided_slice %get3A_49 {offsets = [5], sizes = [1], strides = [1]} : vector<16xi32> to vector<1xi32>
      %squeeze3A_195 = vector.extract %slice3A_194[0] : i32 from vector<1xi32>
      %mul3A_196 = arith.constant 16 : i32
      %mul3A_197 = arith.muli %scan3A_43, %mul3A_196 : i32
      %add3A_198 = arith.constant 5 : i32
      %add3A_199 = arith.addi %mul3A_197, %add3A_198 : i32
      %dma_start3A_200 = arith.constant 0 : i32
      %dma_start3A_201 = tpu.memref_slice %arg10[%add3A_199, %dma_start3A_200] : memref<256x64xf32, #tpu.memory_space<vmem>> -> memref<1x64xf32, #tpu.memory_space<vmem>>
      %dma_start3A_202 = arith.constant 0 : i32
      %dma_start3A_203 = tpu.memref_slice %arg2[%squeeze3A_195, %dma_start3A_202] : memref<1000000x64xf32, #tpu.memory_space<hbm>> -> memref<1x64xf32, #tpu.memory_space<hbm>>
      %dma_start3A_204 = arith.constant 0 : i32
      %dma_start3A_205 = tpu.memref_slice %arg10[%add3A_199, %dma_start3A_204] : memref<256x64xf32, #tpu.memory_space<vmem>> -> memref<1x64xf32, #tpu.memory_space<vmem>>
      %dma_start3A_206 = arith.constant 0 : i32
      %dma_start3A_207 = tpu.memref_slice %arg2[%squeeze3A_195, %dma_start3A_206] : memref<1000000x64xf32, #tpu.memory_space<hbm>> -> memref<1x64xf32, #tpu.memory_space<hbm>>
      tpu.enqueue_dma source(%dma_start3A_207 : memref<1x64xf32, #tpu.memory_space<hbm>>) target(%dma_start3A_205 : memref<1x64xf32, #tpu.memory_space<vmem>>) target_semaphore(%arg12 : memref<!tpu.dma_semaphore, #tpu.memory_space<semaphore_mem>>)
      %slice3A_208 = vector.extract_strided_slice %get3A_56 {offsets = [5], sizes = [1], strides = [1]} : vector<16xi32> to vector<1xi32>
      %squeeze3A_209 = vector.extract %slice3A_208[0] : i32 from vector<1xi32>
      %mul3A_210 = arith.constant 16 : i32
      %mul3A_211 = arith.muli %scan3A_43, %mul3A_210 : i32
      %add3A_212 = arith.constant 5 : i32
      %add3A_213 = arith.addi %mul3A_211, %add3A_212 : i32
      %dma_start3A_214 = arith.constant 0 : i32
      %dma_start3A_215 = tpu.memref_slice %arg11[%add3A_213, %dma_start3A_214] : memref<256x64xf32, #tpu.memory_space<vmem>> -> memref<1x64xf32, #tpu.memory_space<vmem>>
      %dma_start3A_216 = arith.constant 0 : i32
      %dma_start3A_217 = tpu.memref_slice %arg3[%squeeze3A_209, %dma_start3A_216] : memref<1000000x64xf32, #tpu.memory_space<hbm>> -> memref<1x64xf32, #tpu.memory_space<hbm>>
      %dma_start3A_218 = arith.constant 0 : i32
      %dma_start3A_219 = tpu.memref_slice %arg11[%add3A_213, %dma_start3A_218] : memref<256x64xf32, #tpu.memory_space<vmem>> -> memref<1x64xf32, #tpu.memory_space<vmem>>
      %dma_start3A_220 = arith.constant 0 : i32
      %dma_start3A_221 = tpu.memref_slice %arg3[%squeeze3A_209, %dma_start3A_220] : memref<1000000x64xf32, #tpu.memory_space<hbm>> -> memref<1x64xf32, #tpu.memory_space<hbm>>
      tpu.enqueue_dma source(%dma_start3A_221 : memref<1x64xf32, #tpu.memory_space<hbm>>) target(%dma_start3A_219 : memref<1x64xf32, #tpu.memory_space<vmem>>) target_semaphore(%arg13 : memref<!tpu.dma_semaphore, #tpu.memory_space<semaphore_mem>>)
      %slice3A_222 = vector.extract_strided_slice %get3A_49 {offsets = [6], sizes = [1], strides = [1]} : vector<16xi32> to vector<1xi32>
      %squeeze3A_223 = vector.extract %slice3A_222[0] : i32 from vector<1xi32>
      %mul3A_224 = arith.constant 16 : i32
      %mul3A_225 = arith.muli %scan3A_43, %mul3A_224 : i32
      %add3A_226 = arith.constant 6 : i32
      %add3A_227 = arith.addi %mul3A_225, %add3A_226 : i32
      %dma_start3A_228 = arith.constant 0 : i32
      %dma_start3A_229 = tpu.memref_slice %arg10[%add3A_227, %dma_start3A_228] : memref<256x64xf32, #tpu.memory_space<vmem>> -> memref<1x64xf32, #tpu.memory_space<vmem>>
      %dma_start3A_230 = arith.constant 0 : i32
      %dma_start3A_231 = tpu.memref_slice %arg2[%squeeze3A_223, %dma_start3A_230] : memref<1000000x64xf32, #tpu.memory_space<hbm>> -> memref<1x64xf32, #tpu.memory_space<hbm>>
      %dma_start3A_232 = arith.constant 0 : i32
      %dma_start3A_233 = tpu.memref_slice %arg10[%add3A_227, %dma_start3A_232] : memref<256x64xf32, #tpu.memory_space<vmem>> -> memref<1x64xf32, #tpu.memory_space<vmem>>
      %dma_start3A_234 = arith.constant 0 : i32
      %dma_start3A_235 = tpu.memref_slice %arg2[%squeeze3A_223, %dma_start3A_234] : memref<1000000x64xf32, #tpu.memory_space<hbm>> -> memref<1x64xf32, #tpu.memory_space<hbm>>
      tpu.enqueue_dma source(%dma_start3A_235 : memref<1x64xf32, #tpu.memory_space<hbm>>) target(%dma_start3A_233 : memref<1x64xf32, #tpu.memory_space<vmem>>) target_semaphore(%arg12 : memref<!tpu.dma_semaphore, #tpu.memory_space<semaphore_mem>>)
      %slice3A_236 = vector.extract_strided_slice %get3A_56 {offsets = [6], sizes = [1], strides = [1]} : vector<16xi32> to vector<1xi32>
      %squeeze3A_237 = vector.extract %slice3A_236[0] : i32 from vector<1xi32>
      %mul3A_238 = arith.constant 16 : i32
      %mul3A_239 = arith.muli %scan3A_43, %mul3A_238 : i32
      %add3A_240 = arith.constant 6 : i32
      %add3A_241 = arith.addi %mul3A_239, %add3A_240 : i32
      %dma_start3A_242 = arith.constant 0 : i32
      %dma_start3A_243 = tpu.memref_slice %arg11[%add3A_241, %dma_start3A_242] : memref<256x64xf32, #tpu.memory_space<vmem>> -> memref<1x64xf32, #tpu.memory_space<vmem>>
      %dma_start3A_244 = arith.constant 0 : i32
      %dma_start3A_245 = tpu.memref_slice %arg3[%squeeze3A_237, %dma_start3A_244] : memref<1000000x64xf32, #tpu.memory_space<hbm>> -> memref<1x64xf32, #tpu.memory_space<hbm>>
      %dma_start3A_246 = arith.constant 0 : i32
      %dma_start3A_247 = tpu.memref_slice %arg11[%add3A_241, %dma_start3A_246] : memref<256x64xf32, #tpu.memory_space<vmem>> -> memref<1x64xf32, #tpu.memory_space<vmem>>
      %dma_start3A_248 = arith.constant 0 : i32
      %dma_start3A_249 = tpu.memref_slice %arg3[%squeeze3A_237, %dma_start3A_248] : memref<1000000x64xf32, #tpu.memory_space<hbm>> -> memref<1x64xf32, #tpu.memory_space<hbm>>
      tpu.enqueue_dma source(%dma_start3A_249 : memref<1x64xf32, #tpu.memory_space<hbm>>) target(%dma_start3A_247 : memref<1x64xf32, #tpu.memory_space<vmem>>) target_semaphore(%arg13 : memref<!tpu.dma_semaphore, #tpu.memory_space<semaphore_mem>>)
      %slice3A_250 = vector.extract_strided_slice %get3A_49 {offsets = [7], sizes = [1], strides = [1]} : vector<16xi32> to vector<1xi32>
      %squeeze3A_251 = vector.extract %slice3A_250[0] : i32 from vector<1xi32>
      %mul3A_252 = arith.constant 16 : i32
      %mul3A_253 = arith.muli %scan3A_43, %mul3A_252 : i32
      %add3A_254 = arith.constant 7 : i32
      %add3A_255 = arith.addi %mul3A_253, %add3A_254 : i32
      %dma_start3A_256 = arith.constant 0 : i32
      %dma_start3A_257 = tpu.memref_slice %arg10[%add3A_255, %dma_start3A_256] : memref<256x64xf32, #tpu.memory_space<vmem>> -> memref<1x64xf32, #tpu.memory_space<vmem>>
      %dma_start3A_258 = arith.constant 0 : i32
      %dma_start3A_259 = tpu.memref_slice %arg2[%squeeze3A_251, %dma_start3A_258] : memref<1000000x64xf32, #tpu.memory_space<hbm>> -> memref<1x64xf32, #tpu.memory_space<hbm>>
      %dma_start3A_260 = arith.constant 0 : i32
      %dma_start3A_261 = tpu.memref_slice %arg10[%add3A_255, %dma_start3A_260] : memref<256x64xf32, #tpu.memory_space<vmem>> -> memref<1x64xf32, #tpu.memory_space<vmem>>
      %dma_start3A_262 = arith.constant 0 : i32
      %dma_start3A_263 = tpu.memref_slice %arg2[%squeeze3A_251, %dma_start3A_262] : memref<1000000x64xf32, #tpu.memory_space<hbm>> -> memref<1x64xf32, #tpu.memory_space<hbm>>
      tpu.enqueue_dma source(%dma_start3A_263 : memref<1x64xf32, #tpu.memory_space<hbm>>) target(%dma_start3A_261 : memref<1x64xf32, #tpu.memory_space<vmem>>) target_semaphore(%arg12 : memref<!tpu.dma_semaphore, #tpu.memory_space<semaphore_mem>>)
      %slice3A_264 = vector.extract_strided_slice %get3A_56 {offsets = [7], sizes = [1], strides = [1]} : vector<16xi32> to vector<1xi32>
      %squeeze3A_265 = vector.extract %slice3A_264[0] : i32 from vector<1xi32>
      %mul3A_266 = arith.constant 16 : i32
      %mul3A_267 = arith.muli %scan3A_43, %mul3A_266 : i32
      %add3A_268 = arith.constant 7 : i32
      %add3A_269 = arith.addi %mul3A_267, %add3A_268 : i32
      %dma_start3A_270 = arith.constant 0 : i32
      %dma_start3A_271 = tpu.memref_slice %arg11[%add3A_269, %dma_start3A_270] : memref<256x64xf32, #tpu.memory_space<vmem>> -> memref<1x64xf32, #tpu.memory_space<vmem>>
      %dma_start3A_272 = arith.constant 0 : i32
      %dma_start3A_273 = tpu.memref_slice %arg3[%squeeze3A_265, %dma_start3A_272] : memref<1000000x64xf32, #tpu.memory_space<hbm>> -> memref<1x64xf32, #tpu.memory_space<hbm>>
      %dma_start3A_274 = arith.constant 0 : i32
      %dma_start3A_275 = tpu.memref_slice %arg11[%add3A_269, %dma_start3A_274] : memref<256x64xf32, #tpu.memory_space<vmem>> -> memref<1x64xf32, #tpu.memory_space<vmem>>
      %dma_start3A_276 = arith.constant 0 : i32
      %dma_start3A_277 = tpu.memref_slice %arg3[%squeeze3A_265, %dma_start3A_276] : memref<1000000x64xf32, #tpu.memory_space<hbm>> -> memref<1x64xf32, #tpu.memory_space<hbm>>
      tpu.enqueue_dma source(%dma_start3A_277 : memref<1x64xf32, #tpu.memory_space<hbm>>) target(%dma_start3A_275 : memref<1x64xf32, #tpu.memory_space<vmem>>) target_semaphore(%arg13 : memref<!tpu.dma_semaphore, #tpu.memory_space<semaphore_mem>>)
      %slice3A_278 = vector.extract_strided_slice %get3A_49 {offsets = [8], sizes = [1], strides = [1]} : vector<16xi32> to vector<1xi32>
      %squeeze3A_279 = vector.extract %slice3A_278[0] : i32 from vector<1xi32>
      %mul3A_280 = arith.constant 16 : i32
      %mul3A_281 = arith.muli %scan3A_43, %mul3A_280 : i32
      %add3A_282 = arith.constant 8 : i32
      %add3A_283 = arith.addi %mul3A_281, %add3A_282 : i32
      %dma_start3A_284 = arith.constant 0 : i32
      %dma_start3A_285 = tpu.memref_slice %arg10[%add3A_283, %dma_start3A_284] : memref<256x64xf32, #tpu.memory_space<vmem>> -> memref<1x64xf32, #tpu.memory_space<vmem>>
      %dma_start3A_286 = arith.constant 0 : i32
      %dma_start3A_287 = tpu.memref_slice %arg2[%squeeze3A_279, %dma_start3A_286] : memref<1000000x64xf32, #tpu.memory_space<hbm>> -> memref<1x64xf32, #tpu.memory_space<hbm>>
      %dma_start3A_288 = arith.constant 0 : i32
      %dma_start3A_289 = tpu.memref_slice %arg10[%add3A_283, %dma_start3A_288] : memref<256x64xf32, #tpu.memory_space<vmem>> -> memref<1x64xf32, #tpu.memory_space<vmem>>
      %dma_start3A_290 = arith.constant 0 : i32
      %dma_start3A_291 = tpu.memref_slice %arg2[%squeeze3A_279, %dma_start3A_290] : memref<1000000x64xf32, #tpu.memory_space<hbm>> -> memref<1x64xf32, #tpu.memory_space<hbm>>
      tpu.enqueue_dma source(%dma_start3A_291 : memref<1x64xf32, #tpu.memory_space<hbm>>) target(%dma_start3A_289 : memref<1x64xf32, #tpu.memory_space<vmem>>) target_semaphore(%arg12 : memref<!tpu.dma_semaphore, #tpu.memory_space<semaphore_mem>>)
      %slice3A_292 = vector.extract_strided_slice %get3A_56 {offsets = [8], sizes = [1], strides = [1]} : vector<16xi32> to vector<1xi32>
      %squeeze3A_293 = vector.extract %slice3A_292[0] : i32 from vector<1xi32>
      %mul3A_294 = arith.constant 16 : i32
      %mul3A_295 = arith.muli %scan3A_43, %mul3A_294 : i32
      %add3A_296 = arith.constant 8 : i32
      %add3A_297 = arith.addi %mul3A_295, %add3A_296 : i32
      %dma_start3A_298 = arith.constant 0 : i32
      %dma_start3A_299 = tpu.memref_slice %arg11[%add3A_297, %dma_start3A_298] : memref<256x64xf32, #tpu.memory_space<vmem>> -> memref<1x64xf32, #tpu.memory_space<vmem>>
      %dma_start3A_300 = arith.constant 0 : i32
      %dma_start3A_301 = tpu.memref_slice %arg3[%squeeze3A_293, %dma_start3A_300] : memref<1000000x64xf32, #tpu.memory_space<hbm>> -> memref<1x64xf32, #tpu.memory_space<hbm>>
      %dma_start3A_302 = arith.constant 0 : i32
      %dma_start3A_303 = tpu.memref_slice %arg11[%add3A_297, %dma_start3A_302] : memref<256x64xf32, #tpu.memory_space<vmem>> -> memref<1x64xf32, #tpu.memory_space<vmem>>
      %dma_start3A_304 = arith.constant 0 : i32
      %dma_start3A_305 = tpu.memref_slice %arg3[%squeeze3A_293, %dma_start3A_304] : memref<1000000x64xf32, #tpu.memory_space<hbm>> -> memref<1x64xf32, #tpu.memory_space<hbm>>
      tpu.enqueue_dma source(%dma_start3A_305 : memref<1x64xf32, #tpu.memory_space<hbm>>) target(%dma_start3A_303 : memref<1x64xf32, #tpu.memory_space<vmem>>) target_semaphore(%arg13 : memref<!tpu.dma_semaphore, #tpu.memory_space<semaphore_mem>>)
      %slice3A_306 = vector.extract_strided_slice %get3A_49 {offsets = [9], sizes = [1], strides = [1]} : vector<16xi32> to vector<1xi32>
      %squeeze3A_307 = vector.extract %slice3A_306[0] : i32 from vector<1xi32>
      %mul3A_308 = arith.constant 16 : i32
      %mul3A_309 = arith.muli %scan3A_43, %mul3A_308 : i32
      %add3A_310 = arith.constant 9 : i32
      %add3A_311 = arith.addi %mul3A_309, %add3A_310 : i32
      %dma_start3A_312 = arith.constant 0 : i32
      %dma_start3A_313 = tpu.memref_slice %arg10[%add3A_311, %dma_start3A_312] : memref<256x64xf32, #tpu.memory_space<vmem>> -> memref<1x64xf32, #tpu.memory_space<vmem>>
      %dma_start3A_314 = arith.constant 0 : i32
      %dma_start3A_315 = tpu.memref_slice %arg2[%squeeze3A_307, %dma_start3A_314] : memref<1000000x64xf32, #tpu.memory_space<hbm>> -> memref<1x64xf32, #tpu.memory_space<hbm>>
      %dma_start3A_316 = arith.constant 0 : i32
      %dma_start3A_317 = tpu.memref_slice %arg10[%add3A_311, %dma_start3A_316] : memref<256x64xf32, #tpu.memory_space<vmem>> -> memref<1x64xf32, #tpu.memory_space<vmem>>
      %dma_start3A_318 = arith.constant 0 : i32
      %dma_start3A_319 = tpu.memref_slice %arg2[%squeeze3A_307, %dma_start3A_318] : memref<1000000x64xf32, #tpu.memory_space<hbm>> -> memref<1x64xf32, #tpu.memory_space<hbm>>
      tpu.enqueue_dma source(%dma_start3A_319 : memref<1x64xf32, #tpu.memory_space<hbm>>) target(%dma_start3A_317 : memref<1x64xf32, #tpu.memory_space<vmem>>) target_semaphore(%arg12 : memref<!tpu.dma_semaphore, #tpu.memory_space<semaphore_mem>>)
      %slice3A_320 = vector.extract_strided_slice %get3A_56 {offsets = [9], sizes = [1], strides = [1]} : vector<16xi32> to vector<1xi32>
      %squeeze3A_321 = vector.extract %slice3A_320[0] : i32 from vector<1xi32>
      %mul3A_322 = arith.constant 16 : i32
      %mul3A_323 = arith.muli %scan3A_43, %mul3A_322 : i32
      %add3A_324 = arith.constant 9 : i32
      %add3A_325 = arith.addi %mul3A_323, %add3A_324 : i32
      %dma_start3A_326 = arith.constant 0 : i32
      %dma_start3A_327 = tpu.memref_slice %arg11[%add3A_325, %dma_start3A_326] : memref<256x64xf32, #tpu.memory_space<vmem>> -> memref<1x64xf32, #tpu.memory_space<vmem>>
      %dma_start3A_328 = arith.constant 0 : i32
      %dma_start3A_329 = tpu.memref_slice %arg3[%squeeze3A_321, %dma_start3A_328] : memref<1000000x64xf32, #tpu.memory_space<hbm>> -> memref<1x64xf32, #tpu.memory_space<hbm>>
      %dma_start3A_330 = arith.constant 0 : i32
      %dma_start3A_331 = tpu.memref_slice %arg11[%add3A_325, %dma_start3A_330] : memref<256x64xf32, #tpu.memory_space<vmem>> -> memref<1x64xf32, #tpu.memory_space<vmem>>
      %dma_start3A_332 = arith.constant 0 : i32
      %dma_start3A_333 = tpu.memref_slice %arg3[%squeeze3A_321, %dma_start3A_332] : memref<1000000x64xf32, #tpu.memory_space<hbm>> -> memref<1x64xf32, #tpu.memory_space<hbm>>
      tpu.enqueue_dma source(%dma_start3A_333 : memref<1x64xf32, #tpu.memory_space<hbm>>) target(%dma_start3A_331 : memref<1x64xf32, #tpu.memory_space<vmem>>) target_semaphore(%arg13 : memref<!tpu.dma_semaphore, #tpu.memory_space<semaphore_mem>>)
      %slice3A_334 = vector.extract_strided_slice %get3A_49 {offsets = [10], sizes = [1], strides = [1]} : vector<16xi32> to vector<1xi32>
      %squeeze3A_335 = vector.extract %slice3A_334[0] : i32 from vector<1xi32>
      %mul3A_336 = arith.constant 16 : i32
      %mul3A_337 = arith.muli %scan3A_43, %mul3A_336 : i32
      %add3A_338 = arith.constant 10 : i32
      %add3A_339 = arith.addi %mul3A_337, %add3A_338 : i32
      %dma_start3A_340 = arith.constant 0 : i32
      %dma_start3A_341 = tpu.memref_slice %arg10[%add3A_339, %dma_start3A_340] : memref<256x64xf32, #tpu.memory_space<vmem>> -> memref<1x64xf32, #tpu.memory_space<vmem>>
      %dma_start3A_342 = arith.constant 0 : i32
      %dma_start3A_343 = tpu.memref_slice %arg2[%squeeze3A_335, %dma_start3A_342] : memref<1000000x64xf32, #tpu.memory_space<hbm>> -> memref<1x64xf32, #tpu.memory_space<hbm>>
      %dma_start3A_344 = arith.constant 0 : i32
      %dma_start3A_345 = tpu.memref_slice %arg10[%add3A_339, %dma_start3A_344] : memref<256x64xf32, #tpu.memory_space<vmem>> -> memref<1x64xf32, #tpu.memory_space<vmem>>
      %dma_start3A_346 = arith.constant 0 : i32
      %dma_start3A_347 = tpu.memref_slice %arg2[%squeeze3A_335, %dma_start3A_346] : memref<1000000x64xf32, #tpu.memory_space<hbm>> -> memref<1x64xf32, #tpu.memory_space<hbm>>
      tpu.enqueue_dma source(%dma_start3A_347 : memref<1x64xf32, #tpu.memory_space<hbm>>) target(%dma_start3A_345 : memref<1x64xf32, #tpu.memory_space<vmem>>) target_semaphore(%arg12 : memref<!tpu.dma_semaphore, #tpu.memory_space<semaphore_mem>>)
      %slice3A_348 = vector.extract_strided_slice %get3A_56 {offsets = [10], sizes = [1], strides = [1]} : vector<16xi32> to vector<1xi32>
      %squeeze3A_349 = vector.extract %slice3A_348[0] : i32 from vector<1xi32>
      %mul3A_350 = arith.constant 16 : i32
      %mul3A_351 = arith.muli %scan3A_43, %mul3A_350 : i32
      %add3A_352 = arith.constant 10 : i32
      %add3A_353 = arith.addi %mul3A_351, %add3A_352 : i32
      %dma_start3A_354 = arith.constant 0 : i32
      %dma_start3A_355 = tpu.memref_slice %arg11[%add3A_353, %dma_start3A_354] : memref<256x64xf32, #tpu.memory_space<vmem>> -> memref<1x64xf32, #tpu.memory_space<vmem>>
      %dma_start3A_356 = arith.constant 0 : i32
      %dma_start3A_357 = tpu.memref_slice %arg3[%squeeze3A_349, %dma_start3A_356] : memref<1000000x64xf32, #tpu.memory_space<hbm>> -> memref<1x64xf32, #tpu.memory_space<hbm>>
      %dma_start3A_358 = arith.constant 0 : i32
      %dma_start3A_359 = tpu.memref_slice %arg11[%add3A_353, %dma_start3A_358] : memref<256x64xf32, #tpu.memory_space<vmem>> -> memref<1x64xf32, #tpu.memory_space<vmem>>
      %dma_start3A_360 = arith.constant 0 : i32
      %dma_start3A_361 = tpu.memref_slice %arg3[%squeeze3A_349, %dma_start3A_360] : memref<1000000x64xf32, #tpu.memory_space<hbm>> -> memref<1x64xf32, #tpu.memory_space<hbm>>
      tpu.enqueue_dma source(%dma_start3A_361 : memref<1x64xf32, #tpu.memory_space<hbm>>) target(%dma_start3A_359 : memref<1x64xf32, #tpu.memory_space<vmem>>) target_semaphore(%arg13 : memref<!tpu.dma_semaphore, #tpu.memory_space<semaphore_mem>>)
      %slice3A_362 = vector.extract_strided_slice %get3A_49 {offsets = [11], sizes = [1], strides = [1]} : vector<16xi32> to vector<1xi32>
      %squeeze3A_363 = vector.extract %slice3A_362[0] : i32 from vector<1xi32>
      %mul3A_364 = arith.constant 16 : i32
      %mul3A_365 = arith.muli %scan3A_43, %mul3A_364 : i32
      %add3A_366 = arith.constant 11 : i32
      %add3A_367 = arith.addi %mul3A_365, %add3A_366 : i32
      %dma_start3A_368 = arith.constant 0 : i32
      %dma_start3A_369 = tpu.memref_slice %arg10[%add3A_367, %dma_start3A_368] : memref<256x64xf32, #tpu.memory_space<vmem>> -> memref<1x64xf32, #tpu.memory_space<vmem>>
      %dma_start3A_370 = arith.constant 0 : i32
      %dma_start3A_371 = tpu.memref_slice %arg2[%squeeze3A_363, %dma_start3A_370] : memref<1000000x64xf32, #tpu.memory_space<hbm>> -> memref<1x64xf32, #tpu.memory_space<hbm>>
      %dma_start3A_372 = arith.constant 0 : i32
      %dma_start3A_373 = tpu.memref_slice %arg10[%add3A_367, %dma_start3A_372] : memref<256x64xf32, #tpu.memory_space<vmem>> -> memref<1x64xf32, #tpu.memory_space<vmem>>
      %dma_start3A_374 = arith.constant 0 : i32
      %dma_start3A_375 = tpu.memref_slice %arg2[%squeeze3A_363, %dma_start3A_374] : memref<1000000x64xf32, #tpu.memory_space<hbm>> -> memref<1x64xf32, #tpu.memory_space<hbm>>
      tpu.enqueue_dma source(%dma_start3A_375 : memref<1x64xf32, #tpu.memory_space<hbm>>) target(%dma_start3A_373 : memref<1x64xf32, #tpu.memory_space<vmem>>) target_semaphore(%arg12 : memref<!tpu.dma_semaphore, #tpu.memory_space<semaphore_mem>>)
      %slice3A_376 = vector.extract_strided_slice %get3A_56 {offsets = [11], sizes = [1], strides = [1]} : vector<16xi32> to vector<1xi32>
      %squeeze3A_377 = vector.extract %slice3A_376[0] : i32 from vector<1xi32>
      %mul3A_378 = arith.constant 16 : i32
      %mul3A_379 = arith.muli %scan3A_43, %mul3A_378 : i32
      %add3A_380 = arith.constant 11 : i32
      %add3A_381 = arith.addi %mul3A_379, %add3A_380 : i32
      %dma_start3A_382 = arith.constant 0 : i32
      %dma_start3A_383 = tpu.memref_slice %arg11[%add3A_381, %dma_start3A_382] : memref<256x64xf32, #tpu.memory_space<vmem>> -> memref<1x64xf32, #tpu.memory_space<vmem>>
      %dma_start3A_384 = arith.constant 0 : i32
      %dma_start3A_385 = tpu.memref_slice %arg3[%squeeze3A_377, %dma_start3A_384] : memref<1000000x64xf32, #tpu.memory_space<hbm>> -> memref<1x64xf32, #tpu.memory_space<hbm>>
      %dma_start3A_386 = arith.constant 0 : i32
      %dma_start3A_387 = tpu.memref_slice %arg11[%add3A_381, %dma_start3A_386] : memref<256x64xf32, #tpu.memory_space<vmem>> -> memref<1x64xf32, #tpu.memory_space<vmem>>
      %dma_start3A_388 = arith.constant 0 : i32
      %dma_start3A_389 = tpu.memref_slice %arg3[%squeeze3A_377, %dma_start3A_388] : memref<1000000x64xf32, #tpu.memory_space<hbm>> -> memref<1x64xf32, #tpu.memory_space<hbm>>
      tpu.enqueue_dma source(%dma_start3A_389 : memref<1x64xf32, #tpu.memory_space<hbm>>) target(%dma_start3A_387 : memref<1x64xf32, #tpu.memory_space<vmem>>) target_semaphore(%arg13 : memref<!tpu.dma_semaphore, #tpu.memory_space<semaphore_mem>>)
      %slice3A_390 = vector.extract_strided_slice %get3A_49 {offsets = [12], sizes = [1], strides = [1]} : vector<16xi32> to vector<1xi32>
      %squeeze3A_391 = vector.extract %slice3A_390[0] : i32 from vector<1xi32>
      %mul3A_392 = arith.constant 16 : i32
      %mul3A_393 = arith.muli %scan3A_43, %mul3A_392 : i32
      %add3A_394 = arith.constant 12 : i32
      %add3A_395 = arith.addi %mul3A_393, %add3A_394 : i32
      %dma_start3A_396 = arith.constant 0 : i32
      %dma_start3A_397 = tpu.memref_slice %arg10[%add3A_395, %dma_start3A_396] : memref<256x64xf32, #tpu.memory_space<vmem>> -> memref<1x64xf32, #tpu.memory_space<vmem>>
      %dma_start3A_398 = arith.constant 0 : i32
      %dma_start3A_399 = tpu.memref_slice %arg2[%squeeze3A_391, %dma_start3A_398] : memref<1000000x64xf32, #tpu.memory_space<hbm>> -> memref<1x64xf32, #tpu.memory_space<hbm>>
      %dma_start3A_400 = arith.constant 0 : i32
      %dma_start3A_401 = tpu.memref_slice %arg10[%add3A_395, %dma_start3A_400] : memref<256x64xf32, #tpu.memory_space<vmem>> -> memref<1x64xf32, #tpu.memory_space<vmem>>
      %dma_start3A_402 = arith.constant 0 : i32
      %dma_start3A_403 = tpu.memref_slice %arg2[%squeeze3A_391, %dma_start3A_402] : memref<1000000x64xf32, #tpu.memory_space<hbm>> -> memref<1x64xf32, #tpu.memory_space<hbm>>
      tpu.enqueue_dma source(%dma_start3A_403 : memref<1x64xf32, #tpu.memory_space<hbm>>) target(%dma_start3A_401 : memref<1x64xf32, #tpu.memory_space<vmem>>) target_semaphore(%arg12 : memref<!tpu.dma_semaphore, #tpu.memory_space<semaphore_mem>>)
      %slice3A_404 = vector.extract_strided_slice %get3A_56 {offsets = [12], sizes = [1], strides = [1]} : vector<16xi32> to vector<1xi32>
      %squeeze3A_405 = vector.extract %slice3A_404[0] : i32 from vector<1xi32>
      %mul3A_406 = arith.constant 16 : i32
      %mul3A_407 = arith.muli %scan3A_43, %mul3A_406 : i32
      %add3A_408 = arith.constant 12 : i32
      %add3A_409 = arith.addi %mul3A_407, %add3A_408 : i32
      %dma_start3A_410 = arith.constant 0 : i32
      %dma_start3A_411 = tpu.memref_slice %arg11[%add3A_409, %dma_start3A_410] : memref<256x64xf32, #tpu.memory_space<vmem>> -> memref<1x64xf32, #tpu.memory_space<vmem>>
      %dma_start3A_412 = arith.constant 0 : i32
      %dma_start3A_413 = tpu.memref_slice %arg3[%squeeze3A_405, %dma_start3A_412] : memref<1000000x64xf32, #tpu.memory_space<hbm>> -> memref<1x64xf32, #tpu.memory_space<hbm>>
      %dma_start3A_414 = arith.constant 0 : i32
      %dma_start3A_415 = tpu.memref_slice %arg11[%add3A_409, %dma_start3A_414] : memref<256x64xf32, #tpu.memory_space<vmem>> -> memref<1x64xf32, #tpu.memory_space<vmem>>
      %dma_start3A_416 = arith.constant 0 : i32
      %dma_start3A_417 = tpu.memref_slice %arg3[%squeeze3A_405, %dma_start3A_416] : memref<1000000x64xf32, #tpu.memory_space<hbm>> -> memref<1x64xf32, #tpu.memory_space<hbm>>
      tpu.enqueue_dma source(%dma_start3A_417 : memref<1x64xf32, #tpu.memory_space<hbm>>) target(%dma_start3A_415 : memref<1x64xf32, #tpu.memory_space<vmem>>) target_semaphore(%arg13 : memref<!tpu.dma_semaphore, #tpu.memory_space<semaphore_mem>>)
      %slice3A_418 = vector.extract_strided_slice %get3A_49 {offsets = [13], sizes = [1], strides = [1]} : vector<16xi32> to vector<1xi32>
      %squeeze3A_419 = vector.extract %slice3A_418[0] : i32 from vector<1xi32>
      %mul3A_420 = arith.constant 16 : i32
      %mul3A_421 = arith.muli %scan3A_43, %mul3A_420 : i32
      %add3A_422 = arith.constant 13 : i32
      %add3A_423 = arith.addi %mul3A_421, %add3A_422 : i32
      %dma_start3A_424 = arith.constant 0 : i32
      %dma_start3A_425 = tpu.memref_slice %arg10[%add3A_423, %dma_start3A_424] : memref<256x64xf32, #tpu.memory_space<vmem>> -> memref<1x64xf32, #tpu.memory_space<vmem>>
      %dma_start3A_426 = arith.constant 0 : i32
      %dma_start3A_427 = tpu.memref_slice %arg2[%squeeze3A_419, %dma_start3A_426] : memref<1000000x64xf32, #tpu.memory_space<hbm>> -> memref<1x64xf32, #tpu.memory_space<hbm>>
      %dma_start3A_428 = arith.constant 0 : i32
      %dma_start3A_429 = tpu.memref_slice %arg10[%add3A_423, %dma_start3A_428] : memref<256x64xf32, #tpu.memory_space<vmem>> -> memref<1x64xf32, #tpu.memory_space<vmem>>
      %dma_start3A_430 = arith.constant 0 : i32
      %dma_start3A_431 = tpu.memref_slice %arg2[%squeeze3A_419, %dma_start3A_430] : memref<1000000x64xf32, #tpu.memory_space<hbm>> -> memref<1x64xf32, #tpu.memory_space<hbm>>
      tpu.enqueue_dma source(%dma_start3A_431 : memref<1x64xf32, #tpu.memory_space<hbm>>) target(%dma_start3A_429 : memref<1x64xf32, #tpu.memory_space<vmem>>) target_semaphore(%arg12 : memref<!tpu.dma_semaphore, #tpu.memory_space<semaphore_mem>>)
      %slice3A_432 = vector.extract_strided_slice %get3A_56 {offsets = [13], sizes = [1], strides = [1]} : vector<16xi32> to vector<1xi32>
      %squeeze3A_433 = vector.extract %slice3A_432[0] : i32 from vector<1xi32>
      %mul3A_434 = arith.constant 16 : i32
      %mul3A_435 = arith.muli %scan3A_43, %mul3A_434 : i32
      %add3A_436 = arith.constant 13 : i32
      %add3A_437 = arith.addi %mul3A_435, %add3A_436 : i32
      %dma_start3A_438 = arith.constant 0 : i32
      %dma_start3A_439 = tpu.memref_slice %arg11[%add3A_437, %dma_start3A_438] : memref<256x64xf32, #tpu.memory_space<vmem>> -> memref<1x64xf32, #tpu.memory_space<vmem>>
      %dma_start3A_440 = arith.constant 0 : i32
      %dma_start3A_441 = tpu.memref_slice %arg3[%squeeze3A_433, %dma_start3A_440] : memref<1000000x64xf32, #tpu.memory_space<hbm>> -> memref<1x64xf32, #tpu.memory_space<hbm>>
      %dma_start3A_442 = arith.constant 0 : i32
      %dma_start3A_443 = tpu.memref_slice %arg11[%add3A_437, %dma_start3A_442] : memref<256x64xf32, #tpu.memory_space<vmem>> -> memref<1x64xf32, #tpu.memory_space<vmem>>
      %dma_start3A_444 = arith.constant 0 : i32
      %dma_start3A_445 = tpu.memref_slice %arg3[%squeeze3A_433, %dma_start3A_444] : memref<1000000x64xf32, #tpu.memory_space<hbm>> -> memref<1x64xf32, #tpu.memory_space<hbm>>
      tpu.enqueue_dma source(%dma_start3A_445 : memref<1x64xf32, #tpu.memory_space<hbm>>) target(%dma_start3A_443 : memref<1x64xf32, #tpu.memory_space<vmem>>) target_semaphore(%arg13 : memref<!tpu.dma_semaphore, #tpu.memory_space<semaphore_mem>>)
      %slice3A_446 = vector.extract_strided_slice %get3A_49 {offsets = [14], sizes = [1], strides = [1]} : vector<16xi32> to vector<1xi32>
      %squeeze3A_447 = vector.extract %slice3A_446[0] : i32 from vector<1xi32>
      %mul3A_448 = arith.constant 16 : i32
      %mul3A_449 = arith.muli %scan3A_43, %mul3A_448 : i32
      %add3A_450 = arith.constant 14 : i32
      %add3A_451 = arith.addi %mul3A_449, %add3A_450 : i32
      %dma_start3A_452 = arith.constant 0 : i32
      %dma_start3A_453 = tpu.memref_slice %arg10[%add3A_451, %dma_start3A_452] : memref<256x64xf32, #tpu.memory_space<vmem>> -> memref<1x64xf32, #tpu.memory_space<vmem>>
      %dma_start3A_454 = arith.constant 0 : i32
      %dma_start3A_455 = tpu.memref_slice %arg2[%squeeze3A_447, %dma_start3A_454] : memref<1000000x64xf32, #tpu.memory_space<hbm>> -> memref<1x64xf32, #tpu.memory_space<hbm>>
      %dma_start3A_456 = arith.constant 0 : i32
      %dma_start3A_457 = tpu.memref_slice %arg10[%add3A_451, %dma_start3A_456] : memref<256x64xf32, #tpu.memory_space<vmem>> -> memref<1x64xf32, #tpu.memory_space<vmem>>
      %dma_start3A_458 = arith.constant 0 : i32
      %dma_start3A_459 = tpu.memref_slice %arg2[%squeeze3A_447, %dma_start3A_458] : memref<1000000x64xf32, #tpu.memory_space<hbm>> -> memref<1x64xf32, #tpu.memory_space<hbm>>
      tpu.enqueue_dma source(%dma_start3A_459 : memref<1x64xf32, #tpu.memory_space<hbm>>) target(%dma_start3A_457 : memref<1x64xf32, #tpu.memory_space<vmem>>) target_semaphore(%arg12 : memref<!tpu.dma_semaphore, #tpu.memory_space<semaphore_mem>>)
      %slice3A_460 = vector.extract_strided_slice %get3A_56 {offsets = [14], sizes = [1], strides = [1]} : vector<16xi32> to vector<1xi32>
      %squeeze3A_461 = vector.extract %slice3A_460[0] : i32 from vector<1xi32>
      %mul3A_462 = arith.constant 16 : i32
      %mul3A_463 = arith.muli %scan3A_43, %mul3A_462 : i32
      %add3A_464 = arith.constant 14 : i32
      %add3A_465 = arith.addi %mul3A_463, %add3A_464 : i32
      %dma_start3A_466 = arith.constant 0 : i32
      %dma_start3A_467 = tpu.memref_slice %arg11[%add3A_465, %dma_start3A_466] : memref<256x64xf32, #tpu.memory_space<vmem>> -> memref<1x64xf32, #tpu.memory_space<vmem>>
      %dma_start3A_468 = arith.constant 0 : i32
      %dma_start3A_469 = tpu.memref_slice %arg3[%squeeze3A_461, %dma_start3A_468] : memref<1000000x64xf32, #tpu.memory_space<hbm>> -> memref<1x64xf32, #tpu.memory_space<hbm>>
      %dma_start3A_470 = arith.constant 0 : i32
      %dma_start3A_471 = tpu.memref_slice %arg11[%add3A_465, %dma_start3A_470] : memref<256x64xf32, #tpu.memory_space<vmem>> -> memref<1x64xf32, #tpu.memory_space<vmem>>
      %dma_start3A_472 = arith.constant 0 : i32
      %dma_start3A_473 = tpu.memref_slice %arg3[%squeeze3A_461, %dma_start3A_472] : memref<1000000x64xf32, #tpu.memory_space<hbm>> -> memref<1x64xf32, #tpu.memory_space<hbm>>
      tpu.enqueue_dma source(%dma_start3A_473 : memref<1x64xf32, #tpu.memory_space<hbm>>) target(%dma_start3A_471 : memref<1x64xf32, #tpu.memory_space<vmem>>) target_semaphore(%arg13 : memref<!tpu.dma_semaphore, #tpu.memory_space<semaphore_mem>>)
      %slice3A_474 = vector.extract_strided_slice %get3A_49 {offsets = [15], sizes = [1], strides = [1]} : vector<16xi32> to vector<1xi32>
      %squeeze3A_475 = vector.extract %slice3A_474[0] : i32 from vector<1xi32>
      %mul3A_476 = arith.constant 16 : i32
      %mul3A_477 = arith.muli %scan3A_43, %mul3A_476 : i32
      %add3A_478 = arith.constant 15 : i32
      %add3A_479 = arith.addi %mul3A_477, %add3A_478 : i32
      %dma_start3A_480 = arith.constant 0 : i32
      %dma_start3A_481 = tpu.memref_slice %arg10[%add3A_479, %dma_start3A_480] : memref<256x64xf32, #tpu.memory_space<vmem>> -> memref<1x64xf32, #tpu.memory_space<vmem>>
      %dma_start3A_482 = arith.constant 0 : i32
      %dma_start3A_483 = tpu.memref_slice %arg2[%squeeze3A_475, %dma_start3A_482] : memref<1000000x64xf32, #tpu.memory_space<hbm>> -> memref<1x64xf32, #tpu.memory_space<hbm>>
      %dma_start3A_484 = arith.constant 0 : i32
      %dma_start3A_485 = tpu.memref_slice %arg10[%add3A_479, %dma_start3A_484] : memref<256x64xf32, #tpu.memory_space<vmem>> -> memref<1x64xf32, #tpu.memory_space<vmem>>
      %dma_start3A_486 = arith.constant 0 : i32
      %dma_start3A_487 = tpu.memref_slice %arg2[%squeeze3A_475, %dma_start3A_486] : memref<1000000x64xf32, #tpu.memory_space<hbm>> -> memref<1x64xf32, #tpu.memory_space<hbm>>
      tpu.enqueue_dma source(%dma_start3A_487 : memref<1x64xf32, #tpu.memory_space<hbm>>) target(%dma_start3A_485 : memref<1x64xf32, #tpu.memory_space<vmem>>) target_semaphore(%arg12 : memref<!tpu.dma_semaphore, #tpu.memory_space<semaphore_mem>>)
      %slice3A_488 = vector.extract_strided_slice %get3A_56 {offsets = [15], sizes = [1], strides = [1]} : vector<16xi32> to vector<1xi32>
      %squeeze3A_489 = vector.extract %slice3A_488[0] : i32 from vector<1xi32>
      %mul3A_490 = arith.constant 16 : i32
      %mul3A_491 = arith.muli %scan3A_43, %mul3A_490 : i32
      %add3A_492 = arith.constant 15 : i32
      %add3A_493 = arith.addi %mul3A_491, %add3A_492 : i32
      %dma_start3A_494 = arith.constant 0 : i32
      %dma_start3A_495 = tpu.memref_slice %arg11[%add3A_493, %dma_start3A_494] : memref<256x64xf32, #tpu.memory_space<vmem>> -> memref<1x64xf32, #tpu.memory_space<vmem>>
      %dma_start3A_496 = arith.constant 0 : i32
      %dma_start3A_497 = tpu.memref_slice %arg3[%squeeze3A_489, %dma_start3A_496] : memref<1000000x64xf32, #tpu.memory_space<hbm>> -> memref<1x64xf32, #tpu.memory_space<hbm>>
      %dma_start3A_498 = arith.constant 0 : i32
      %dma_start3A_499 = tpu.memref_slice %arg11[%add3A_493, %dma_start3A_498] : memref<256x64xf32, #tpu.memory_space<vmem>> -> memref<1x64xf32, #tpu.memory_space<vmem>>
      %dma_start3A_500 = arith.constant 0 : i32
      %dma_start3A_501 = tpu.memref_slice %arg3[%squeeze3A_489, %dma_start3A_500] : memref<1000000x64xf32, #tpu.memory_space<hbm>> -> memref<1x64xf32, #tpu.memory_space<hbm>>
      tpu.enqueue_dma source(%dma_start3A_501 : memref<1x64xf32, #tpu.memory_space<hbm>>) target(%dma_start3A_499 : memref<1x64xf32, #tpu.memory_space<vmem>>) target_semaphore(%arg13 : memref<!tpu.dma_semaphore, #tpu.memory_space<semaphore_mem>>)
    }
    %scan3A_6 = arith.constant 16 : i32
    %dma_wait3A = arith.constant 0 : i32
    %dma_wait3A_7 = arith.constant 0 : i32
    %dma_wait3A_8 = tpu.memref_slice %arg2[%dma_wait3A, %dma_wait3A_7] : memref<1000000x64xf32, #tpu.memory_space<hbm>> -> memref<256x64xf32, #tpu.memory_space<hbm>>
    %dma_wait3A_9 = arith.constant 0 : i32
    %dma_wait3A_10 = arith.constant 0 : i32
    %dma_wait3A_11 = tpu.memref_slice %arg2[%dma_wait3A_9, %dma_wait3A_10] : memref<1000000x64xf32, #tpu.memory_space<hbm>> -> memref<256x64xf32, #tpu.memory_space<hbm>>
    tpu.wait_dma2 semaphore(%arg12 : memref<!tpu.dma_semaphore, #tpu.memory_space<semaphore_mem>>) src(%dma_wait3A_11 : memref<256x64xf32, #tpu.memory_space<hbm>>) dst(%arg10 : memref<256x64xf32, #tpu.memory_space<vmem>>)
    %dma_wait3A_12 = arith.constant 0 : i32
    %dma_wait3A_13 = arith.constant 0 : i32
    %dma_wait3A_14 = tpu.memref_slice %arg3[%dma_wait3A_12, %dma_wait3A_13] : memref<1000000x64xf32, #tpu.memory_space<hbm>> -> memref<256x64xf32, #tpu.memory_space<hbm>>
    %dma_wait3A_15 = arith.constant 0 : i32
    %dma_wait3A_16 = arith.constant 0 : i32
    %dma_wait3A_17 = tpu.memref_slice %arg3[%dma_wait3A_15, %dma_wait3A_16] : memref<1000000x64xf32, #tpu.memory_space<hbm>> -> memref<256x64xf32, #tpu.memory_space<hbm>>
    tpu.wait_dma2 semaphore(%arg13 : memref<!tpu.dma_semaphore, #tpu.memory_space<semaphore_mem>>) src(%dma_wait3A_17 : memref<256x64xf32, #tpu.memory_space<hbm>>) dst(%arg11 : memref<256x64xf32, #tpu.memory_space<vmem>>)
    %add3A_18 = arith.constant 0 : i32
    %add3A_19 = arith.addi %mul3A_2, %add3A_18 : i32
    "tpu.region"() ({
      %run_scoped3A = tpu.sem_alloc : memref<!tpu.dma_semaphore, #tpu.memory_space<semaphore_mem>>
      %dma_start3A = arith.constant 0 : i32
      %dma_start3A_43 = tpu.memref_slice %arg6[%add3A_19, %dma_start3A] : memref<16384x64xf32, #tpu.memory_space<hbm>> -> memref<256x64xf32, #tpu.memory_space<hbm>>
      %dma_start3A_44 = arith.constant 0 : i32
      %dma_start3A_45 = tpu.memref_slice %arg6[%add3A_19, %dma_start3A_44] : memref<16384x64xf32, #tpu.memory_space<hbm>> -> memref<256x64xf32, #tpu.memory_space<hbm>>
      tpu.enqueue_dma source(%arg10 : memref<256x64xf32, #tpu.memory_space<vmem>>) target(%dma_start3A_45 : memref<256x64xf32, #tpu.memory_space<hbm>>) target_semaphore(%run_scoped3A : memref<!tpu.dma_semaphore, #tpu.memory_space<semaphore_mem>>)
      %dma_wait3A_46 = arith.constant 0 : i32
      %dma_wait3A_47 = tpu.memref_slice %arg6[%add3A_19, %dma_wait3A_46] : memref<16384x64xf32, #tpu.memory_space<hbm>> -> memref<256x64xf32, #tpu.memory_space<hbm>>
      %dma_wait3A_48 = arith.constant 0 : i32
      %dma_wait3A_49 = tpu.memref_slice %arg6[%add3A_19, %dma_wait3A_48] : memref<16384x64xf32, #tpu.memory_space<hbm>> -> memref<256x64xf32, #tpu.memory_space<hbm>>
      tpu.wait_dma2 semaphore(%run_scoped3A : memref<!tpu.dma_semaphore, #tpu.memory_space<semaphore_mem>>) src(%arg10 : memref<256x64xf32, #tpu.memory_space<vmem>>) dst(%dma_wait3A_49 : memref<256x64xf32, #tpu.memory_space<hbm>>)
      tpu.yield
    }) : () -> ()
    %add3A_20 = arith.constant 0 : i32
    %add3A_21 = arith.addi %mul3A_2, %add3A_20 : i32
    "tpu.region"() ({
      %run_scoped3A = tpu.sem_alloc : memref<!tpu.dma_semaphore, #tpu.memory_space<semaphore_mem>>
      %dma_start3A = arith.constant 0 : i32
      %dma_start3A_43 = tpu.memref_slice %arg7[%add3A_21, %dma_start3A] : memref<16384x64xf32, #tpu.memory_space<hbm>> -> memref<256x64xf32, #tpu.memory_space<hbm>>
      %dma_start3A_44 = arith.constant 0 : i32
      %dma_start3A_45 = tpu.memref_slice %arg7[%add3A_21, %dma_start3A_44] : memref<16384x64xf32, #tpu.memory_space<hbm>> -> memref<256x64xf32, #tpu.memory_space<hbm>>
      tpu.enqueue_dma source(%arg11 : memref<256x64xf32, #tpu.memory_space<vmem>>) target(%dma_start3A_45 : memref<256x64xf32, #tpu.memory_space<hbm>>) target_semaphore(%run_scoped3A : memref<!tpu.dma_semaphore, #tpu.memory_space<semaphore_mem>>)
      %dma_wait3A_46 = arith.constant 0 : i32
      %dma_wait3A_47 = tpu.memref_slice %arg7[%add3A_21, %dma_wait3A_46] : memref<16384x64xf32, #tpu.memory_space<hbm>> -> memref<256x64xf32, #tpu.memory_space<hbm>>
      %dma_wait3A_48 = arith.constant 0 : i32
      %dma_wait3A_49 = tpu.memref_slice %arg7[%add3A_21, %dma_wait3A_48] : memref<16384x64xf32, #tpu.memory_space<hbm>> -> memref<256x64xf32, #tpu.memory_space<hbm>>
      tpu.wait_dma2 semaphore(%run_scoped3A : memref<!tpu.dma_semaphore, #tpu.memory_space<semaphore_mem>>) src(%arg11 : memref<256x64xf32, #tpu.memory_space<vmem>>) dst(%dma_wait3A_49 : memref<256x64xf32, #tpu.memory_space<hbm>>)
      tpu.yield
    }) : () -> ()
    %scan3A_22 = arith.constant 0 : i32
    %scan3A_23 = arith.constant 16 : i32
    %scan3A_24 = arith.addi %scan3A_22, %scan3A_23 : i32
    %scan3A_25 = arith.constant 1 : i32
    scf.for %scan3A_43 = %scan3A_22 to %scan3A_24 step %scan3A_25  : i32 {
      %mul3A_44 = arith.constant 16 : i32
      %mul3A_45 = arith.muli %scan3A_43, %mul3A_44 : i32
      %add3A_46 = arith.constant 256 : i32
      %add3A_47 = arith.addi %add3A_46, %mul3A_45 : i32
      %get3A = arith.index_cast %add3A_47 : i32 to index
      %get3A_48 = tpu.vector_load %arg8[%get3A] {strides = array<i32>} : memref<512xi32, #tpu.memory_space<vmem>>, vector<16xi32>,
      %get3A_49 = vector.shape_cast %get3A_48 : vector<16xi32> to vector<16xi32>
      %mul3A_50 = arith.constant 16 : i32
      %mul3A_51 = arith.muli %scan3A_43, %mul3A_50 : i32
      %add3A_52 = arith.constant 256 : i32
      %add3A_53 = arith.addi %add3A_52, %mul3A_51 : i32
      %get3A_54 = arith.index_cast %add3A_53 : i32 to index
      %get3A_55 = tpu.vector_load %arg9[%get3A_54] {strides = array<i32>} : memref<512xi32, #tpu.memory_space<vmem>>, vector<16xi32>,
      %get3A_56 = vector.shape_cast %get3A_55 : vector<16xi32> to vector<16xi32>
      %slice3A = vector.extract_strided_slice %get3A_49 {offsets = [0], sizes = [1], strides = [1]} : vector<16xi32> to vector<1xi32>
      %squeeze3A = vector.extract %slice3A[0] : i32 from vector<1xi32>
      %mul3A_57 = arith.constant 16 : i32
      %mul3A_58 = arith.muli %scan3A_43, %mul3A_57 : i32
      %add3A_59 = arith.constant 0 : i32
      %add3A_60 = arith.addi %mul3A_58, %add3A_59 : i32
      %dma_start3A = arith.constant 0 : i32
      %dma_start3A_61 = tpu.memref_slice %arg10[%add3A_60, %dma_start3A] : memref<256x64xf32, #tpu.memory_space<vmem>> -> memref<1x64xf32, #tpu.memory_space<vmem>>
      %dma_start3A_62 = arith.constant 0 : i32
      %dma_start3A_63 = tpu.memref_slice %arg2[%squeeze3A, %dma_start3A_62] : memref<1000000x64xf32, #tpu.memory_space<hbm>> -> memref<1x64xf32, #tpu.memory_space<hbm>>
      %dma_start3A_64 = arith.constant 0 : i32
      %dma_start3A_65 = tpu.memref_slice %arg10[%add3A_60, %dma_start3A_64] : memref<256x64xf32, #tpu.memory_space<vmem>> -> memref<1x64xf32, #tpu.memory_space<vmem>>
      %dma_start3A_66 = arith.constant 0 : i32
      %dma_start3A_67 = tpu.memref_slice %arg2[%squeeze3A, %dma_start3A_66] : memref<1000000x64xf32, #tpu.memory_space<hbm>> -> memref<1x64xf32, #tpu.memory_space<hbm>>
      tpu.enqueue_dma source(%dma_start3A_67 : memref<1x64xf32, #tpu.memory_space<hbm>>) target(%dma_start3A_65 : memref<1x64xf32, #tpu.memory_space<vmem>>) target_semaphore(%arg12 : memref<!tpu.dma_semaphore, #tpu.memory_space<semaphore_mem>>)
      %slice3A_68 = vector.extract_strided_slice %get3A_56 {offsets = [0], sizes = [1], strides = [1]} : vector<16xi32> to vector<1xi32>
      %squeeze3A_69 = vector.extract %slice3A_68[0] : i32 from vector<1xi32>
      %mul3A_70 = arith.constant 16 : i32
      %mul3A_71 = arith.muli %scan3A_43, %mul3A_70 : i32
      %add3A_72 = arith.constant 0 : i32
      %add3A_73 = arith.addi %mul3A_71, %add3A_72 : i32
      %dma_start3A_74 = arith.constant 0 : i32
      %dma_start3A_75 = tpu.memref_slice %arg11[%add3A_73, %dma_start3A_74] : memref<256x64xf32, #tpu.memory_space<vmem>> -> memref<1x64xf32, #tpu.memory_space<vmem>>
      %dma_start3A_76 = arith.constant 0 : i32
      %dma_start3A_77 = tpu.memref_slice %arg3[%squeeze3A_69, %dma_start3A_76] : memref<1000000x64xf32, #tpu.memory_space<hbm>> -> memref<1x64xf32, #tpu.memory_space<hbm>>
      %dma_start3A_78 = arith.constant 0 : i32
      %dma_start3A_79 = tpu.memref_slice %arg11[%add3A_73, %dma_start3A_78] : memref<256x64xf32, #tpu.memory_space<vmem>> -> memref<1x64xf32, #tpu.memory_space<vmem>>
      %dma_start3A_80 = arith.constant 0 : i32
      %dma_start3A_81 = tpu.memref_slice %arg3[%squeeze3A_69, %dma_start3A_80] : memref<1000000x64xf32, #tpu.memory_space<hbm>> -> memref<1x64xf32, #tpu.memory_space<hbm>>
      tpu.enqueue_dma source(%dma_start3A_81 : memref<1x64xf32, #tpu.memory_space<hbm>>) target(%dma_start3A_79 : memref<1x64xf32, #tpu.memory_space<vmem>>) target_semaphore(%arg13 : memref<!tpu.dma_semaphore, #tpu.memory_space<semaphore_mem>>)
      %slice3A_82 = vector.extract_strided_slice %get3A_49 {offsets = [1], sizes = [1], strides = [1]} : vector<16xi32> to vector<1xi32>
      %squeeze3A_83 = vector.extract %slice3A_82[0] : i32 from vector<1xi32>
      %mul3A_84 = arith.constant 16 : i32
      %mul3A_85 = arith.muli %scan3A_43, %mul3A_84 : i32
      %add3A_86 = arith.constant 1 : i32
      %add3A_87 = arith.addi %mul3A_85, %add3A_86 : i32
      %dma_start3A_88 = arith.constant 0 : i32
      %dma_start3A_89 = tpu.memref_slice %arg10[%add3A_87, %dma_start3A_88] : memref<256x64xf32, #tpu.memory_space<vmem>> -> memref<1x64xf32, #tpu.memory_space<vmem>>
      %dma_start3A_90 = arith.constant 0 : i32
      %dma_start3A_91 = tpu.memref_slice %arg2[%squeeze3A_83, %dma_start3A_90] : memref<1000000x64xf32, #tpu.memory_space<hbm>> -> memref<1x64xf32, #tpu.memory_space<hbm>>
      %dma_start3A_92 = arith.constant 0 : i32
      %dma_start3A_93 = tpu.memref_slice %arg10[%add3A_87, %dma_start3A_92] : memref<256x64xf32, #tpu.memory_space<vmem>> -> memref<1x64xf32, #tpu.memory_space<vmem>>
      %dma_start3A_94 = arith.constant 0 : i32
      %dma_start3A_95 = tpu.memref_slice %arg2[%squeeze3A_83, %dma_start3A_94] : memref<1000000x64xf32, #tpu.memory_space<hbm>> -> memref<1x64xf32, #tpu.memory_space<hbm>>
      tpu.enqueue_dma source(%dma_start3A_95 : memref<1x64xf32, #tpu.memory_space<hbm>>) target(%dma_start3A_93 : memref<1x64xf32, #tpu.memory_space<vmem>>) target_semaphore(%arg12 : memref<!tpu.dma_semaphore, #tpu.memory_space<semaphore_mem>>)
      %slice3A_96 = vector.extract_strided_slice %get3A_56 {offsets = [1], sizes = [1], strides = [1]} : vector<16xi32> to vector<1xi32>
      %squeeze3A_97 = vector.extract %slice3A_96[0] : i32 from vector<1xi32>
      %mul3A_98 = arith.constant 16 : i32
      %mul3A_99 = arith.muli %scan3A_43, %mul3A_98 : i32
      %add3A_100 = arith.constant 1 : i32
      %add3A_101 = arith.addi %mul3A_99, %add3A_100 : i32
      %dma_start3A_102 = arith.constant 0 : i32
      %dma_start3A_103 = tpu.memref_slice %arg11[%add3A_101, %dma_start3A_102] : memref<256x64xf32, #tpu.memory_space<vmem>> -> memref<1x64xf32, #tpu.memory_space<vmem>>
      %dma_start3A_104 = arith.constant 0 : i32
      %dma_start3A_105 = tpu.memref_slice %arg3[%squeeze3A_97, %dma_start3A_104] : memref<1000000x64xf32, #tpu.memory_space<hbm>> -> memref<1x64xf32, #tpu.memory_space<hbm>>
      %dma_start3A_106 = arith.constant 0 : i32
      %dma_start3A_107 = tpu.memref_slice %arg11[%add3A_101, %dma_start3A_106] : memref<256x64xf32, #tpu.memory_space<vmem>> -> memref<1x64xf32, #tpu.memory_space<vmem>>
      %dma_start3A_108 = arith.constant 0 : i32
      %dma_start3A_109 = tpu.memref_slice %arg3[%squeeze3A_97, %dma_start3A_108] : memref<1000000x64xf32, #tpu.memory_space<hbm>> -> memref<1x64xf32, #tpu.memory_space<hbm>>
      tpu.enqueue_dma source(%dma_start3A_109 : memref<1x64xf32, #tpu.memory_space<hbm>>) target(%dma_start3A_107 : memref<1x64xf32, #tpu.memory_space<vmem>>) target_semaphore(%arg13 : memref<!tpu.dma_semaphore, #tpu.memory_space<semaphore_mem>>)
      %slice3A_110 = vector.extract_strided_slice %get3A_49 {offsets = [2], sizes = [1], strides = [1]} : vector<16xi32> to vector<1xi32>
      %squeeze3A_111 = vector.extract %slice3A_110[0] : i32 from vector<1xi32>
      %mul3A_112 = arith.constant 16 : i32
      %mul3A_113 = arith.muli %scan3A_43, %mul3A_112 : i32
      %add3A_114 = arith.constant 2 : i32
      %add3A_115 = arith.addi %mul3A_113, %add3A_114 : i32
      %dma_start3A_116 = arith.constant 0 : i32
      %dma_start3A_117 = tpu.memref_slice %arg10[%add3A_115, %dma_start3A_116] : memref<256x64xf32, #tpu.memory_space<vmem>> -> memref<1x64xf32, #tpu.memory_space<vmem>>
      %dma_start3A_118 = arith.constant 0 : i32
      %dma_start3A_119 = tpu.memref_slice %arg2[%squeeze3A_111, %dma_start3A_118] : memref<1000000x64xf32, #tpu.memory_space<hbm>> -> memref<1x64xf32, #tpu.memory_space<hbm>>
      %dma_start3A_120 = arith.constant 0 : i32
      %dma_start3A_121 = tpu.memref_slice %arg10[%add3A_115, %dma_start3A_120] : memref<256x64xf32, #tpu.memory_space<vmem>> -> memref<1x64xf32, #tpu.memory_space<vmem>>
      %dma_start3A_122 = arith.constant 0 : i32
      %dma_start3A_123 = tpu.memref_slice %arg2[%squeeze3A_111, %dma_start3A_122] : memref<1000000x64xf32, #tpu.memory_space<hbm>> -> memref<1x64xf32, #tpu.memory_space<hbm>>
      tpu.enqueue_dma source(%dma_start3A_123 : memref<1x64xf32, #tpu.memory_space<hbm>>) target(%dma_start3A_121 : memref<1x64xf32, #tpu.memory_space<vmem>>) target_semaphore(%arg12 : memref<!tpu.dma_semaphore, #tpu.memory_space<semaphore_mem>>)
      %slice3A_124 = vector.extract_strided_slice %get3A_56 {offsets = [2], sizes = [1], strides = [1]} : vector<16xi32> to vector<1xi32>
      %squeeze3A_125 = vector.extract %slice3A_124[0] : i32 from vector<1xi32>
      %mul3A_126 = arith.constant 16 : i32
      %mul3A_127 = arith.muli %scan3A_43, %mul3A_126 : i32
      %add3A_128 = arith.constant 2 : i32
      %add3A_129 = arith.addi %mul3A_127, %add3A_128 : i32
      %dma_start3A_130 = arith.constant 0 : i32
      %dma_start3A_131 = tpu.memref_slice %arg11[%add3A_129, %dma_start3A_130] : memref<256x64xf32, #tpu.memory_space<vmem>> -> memref<1x64xf32, #tpu.memory_space<vmem>>
      %dma_start3A_132 = arith.constant 0 : i32
      %dma_start3A_133 = tpu.memref_slice %arg3[%squeeze3A_125, %dma_start3A_132] : memref<1000000x64xf32, #tpu.memory_space<hbm>> -> memref<1x64xf32, #tpu.memory_space<hbm>>
      %dma_start3A_134 = arith.constant 0 : i32
      %dma_start3A_135 = tpu.memref_slice %arg11[%add3A_129, %dma_start3A_134] : memref<256x64xf32, #tpu.memory_space<vmem>> -> memref<1x64xf32, #tpu.memory_space<vmem>>
      %dma_start3A_136 = arith.constant 0 : i32
      %dma_start3A_137 = tpu.memref_slice %arg3[%squeeze3A_125, %dma_start3A_136] : memref<1000000x64xf32, #tpu.memory_space<hbm>> -> memref<1x64xf32, #tpu.memory_space<hbm>>
      tpu.enqueue_dma source(%dma_start3A_137 : memref<1x64xf32, #tpu.memory_space<hbm>>) target(%dma_start3A_135 : memref<1x64xf32, #tpu.memory_space<vmem>>) target_semaphore(%arg13 : memref<!tpu.dma_semaphore, #tpu.memory_space<semaphore_mem>>)
      %slice3A_138 = vector.extract_strided_slice %get3A_49 {offsets = [3], sizes = [1], strides = [1]} : vector<16xi32> to vector<1xi32>
      %squeeze3A_139 = vector.extract %slice3A_138[0] : i32 from vector<1xi32>
      %mul3A_140 = arith.constant 16 : i32
      %mul3A_141 = arith.muli %scan3A_43, %mul3A_140 : i32
      %add3A_142 = arith.constant 3 : i32
      %add3A_143 = arith.addi %mul3A_141, %add3A_142 : i32
      %dma_start3A_144 = arith.constant 0 : i32
      %dma_start3A_145 = tpu.memref_slice %arg10[%add3A_143, %dma_start3A_144] : memref<256x64xf32, #tpu.memory_space<vmem>> -> memref<1x64xf32, #tpu.memory_space<vmem>>
      %dma_start3A_146 = arith.constant 0 : i32
      %dma_start3A_147 = tpu.memref_slice %arg2[%squeeze3A_139, %dma_start3A_146] : memref<1000000x64xf32, #tpu.memory_space<hbm>> -> memref<1x64xf32, #tpu.memory_space<hbm>>
      %dma_start3A_148 = arith.constant 0 : i32
      %dma_start3A_149 = tpu.memref_slice %arg10[%add3A_143, %dma_start3A_148] : memref<256x64xf32, #tpu.memory_space<vmem>> -> memref<1x64xf32, #tpu.memory_space<vmem>>
      %dma_start3A_150 = arith.constant 0 : i32
      %dma_start3A_151 = tpu.memref_slice %arg2[%squeeze3A_139, %dma_start3A_150] : memref<1000000x64xf32, #tpu.memory_space<hbm>> -> memref<1x64xf32, #tpu.memory_space<hbm>>
      tpu.enqueue_dma source(%dma_start3A_151 : memref<1x64xf32, #tpu.memory_space<hbm>>) target(%dma_start3A_149 : memref<1x64xf32, #tpu.memory_space<vmem>>) target_semaphore(%arg12 : memref<!tpu.dma_semaphore, #tpu.memory_space<semaphore_mem>>)
      %slice3A_152 = vector.extract_strided_slice %get3A_56 {offsets = [3], sizes = [1], strides = [1]} : vector<16xi32> to vector<1xi32>
      %squeeze3A_153 = vector.extract %slice3A_152[0] : i32 from vector<1xi32>
      %mul3A_154 = arith.constant 16 : i32
      %mul3A_155 = arith.muli %scan3A_43, %mul3A_154 : i32
      %add3A_156 = arith.constant 3 : i32
      %add3A_157 = arith.addi %mul3A_155, %add3A_156 : i32
      %dma_start3A_158 = arith.constant 0 : i32
      %dma_start3A_159 = tpu.memref_slice %arg11[%add3A_157, %dma_start3A_158] : memref<256x64xf32, #tpu.memory_space<vmem>> -> memref<1x64xf32, #tpu.memory_space<vmem>>
      %dma_start3A_160 = arith.constant 0 : i32
      %dma_start3A_161 = tpu.memref_slice %arg3[%squeeze3A_153, %dma_start3A_160] : memref<1000000x64xf32, #tpu.memory_space<hbm>> -> memref<1x64xf32, #tpu.memory_space<hbm>>
      %dma_start3A_162 = arith.constant 0 : i32
      %dma_start3A_163 = tpu.memref_slice %arg11[%add3A_157, %dma_start3A_162] : memref<256x64xf32, #tpu.memory_space<vmem>> -> memref<1x64xf32, #tpu.memory_space<vmem>>
      %dma_start3A_164 = arith.constant 0 : i32
      %dma_start3A_165 = tpu.memref_slice %arg3[%squeeze3A_153, %dma_start3A_164] : memref<1000000x64xf32, #tpu.memory_space<hbm>> -> memref<1x64xf32, #tpu.memory_space<hbm>>
      tpu.enqueue_dma source(%dma_start3A_165 : memref<1x64xf32, #tpu.memory_space<hbm>>) target(%dma_start3A_163 : memref<1x64xf32, #tpu.memory_space<vmem>>) target_semaphore(%arg13 : memref<!tpu.dma_semaphore, #tpu.memory_space<semaphore_mem>>)
      %slice3A_166 = vector.extract_strided_slice %get3A_49 {offsets = [4], sizes = [1], strides = [1]} : vector<16xi32> to vector<1xi32>
      %squeeze3A_167 = vector.extract %slice3A_166[0] : i32 from vector<1xi32>
      %mul3A_168 = arith.constant 16 : i32
      %mul3A_169 = arith.muli %scan3A_43, %mul3A_168 : i32
      %add3A_170 = arith.constant 4 : i32
      %add3A_171 = arith.addi %mul3A_169, %add3A_170 : i32
      %dma_start3A_172 = arith.constant 0 : i32
      %dma_start3A_173 = tpu.memref_slice %arg10[%add3A_171, %dma_start3A_172] : memref<256x64xf32, #tpu.memory_space<vmem>> -> memref<1x64xf32, #tpu.memory_space<vmem>>
      %dma_start3A_174 = arith.constant 0 : i32
      %dma_start3A_175 = tpu.memref_slice %arg2[%squeeze3A_167, %dma_start3A_174] : memref<1000000x64xf32, #tpu.memory_space<hbm>> -> memref<1x64xf32, #tpu.memory_space<hbm>>
      %dma_start3A_176 = arith.constant 0 : i32
      %dma_start3A_177 = tpu.memref_slice %arg10[%add3A_171, %dma_start3A_176] : memref<256x64xf32, #tpu.memory_space<vmem>> -> memref<1x64xf32, #tpu.memory_space<vmem>>
      %dma_start3A_178 = arith.constant 0 : i32
      %dma_start3A_179 = tpu.memref_slice %arg2[%squeeze3A_167, %dma_start3A_178] : memref<1000000x64xf32, #tpu.memory_space<hbm>> -> memref<1x64xf32, #tpu.memory_space<hbm>>
      tpu.enqueue_dma source(%dma_start3A_179 : memref<1x64xf32, #tpu.memory_space<hbm>>) target(%dma_start3A_177 : memref<1x64xf32, #tpu.memory_space<vmem>>) target_semaphore(%arg12 : memref<!tpu.dma_semaphore, #tpu.memory_space<semaphore_mem>>)
      %slice3A_180 = vector.extract_strided_slice %get3A_56 {offsets = [4], sizes = [1], strides = [1]} : vector<16xi32> to vector<1xi32>
      %squeeze3A_181 = vector.extract %slice3A_180[0] : i32 from vector<1xi32>
      %mul3A_182 = arith.constant 16 : i32
      %mul3A_183 = arith.muli %scan3A_43, %mul3A_182 : i32
      %add3A_184 = arith.constant 4 : i32
      %add3A_185 = arith.addi %mul3A_183, %add3A_184 : i32
      %dma_start3A_186 = arith.constant 0 : i32
      %dma_start3A_187 = tpu.memref_slice %arg11[%add3A_185, %dma_start3A_186] : memref<256x64xf32, #tpu.memory_space<vmem>> -> memref<1x64xf32, #tpu.memory_space<vmem>>
      %dma_start3A_188 = arith.constant 0 : i32
      %dma_start3A_189 = tpu.memref_slice %arg3[%squeeze3A_181, %dma_start3A_188] : memref<1000000x64xf32, #tpu.memory_space<hbm>> -> memref<1x64xf32, #tpu.memory_space<hbm>>
      %dma_start3A_190 = arith.constant 0 : i32
      %dma_start3A_191 = tpu.memref_slice %arg11[%add3A_185, %dma_start3A_190] : memref<256x64xf32, #tpu.memory_space<vmem>> -> memref<1x64xf32, #tpu.memory_space<vmem>>
      %dma_start3A_192 = arith.constant 0 : i32
      %dma_start3A_193 = tpu.memref_slice %arg3[%squeeze3A_181, %dma_start3A_192] : memref<1000000x64xf32, #tpu.memory_space<hbm>> -> memref<1x64xf32, #tpu.memory_space<hbm>>
      tpu.enqueue_dma source(%dma_start3A_193 : memref<1x64xf32, #tpu.memory_space<hbm>>) target(%dma_start3A_191 : memref<1x64xf32, #tpu.memory_space<vmem>>) target_semaphore(%arg13 : memref<!tpu.dma_semaphore, #tpu.memory_space<semaphore_mem>>)
      %slice3A_194 = vector.extract_strided_slice %get3A_49 {offsets = [5], sizes = [1], strides = [1]} : vector<16xi32> to vector<1xi32>
      %squeeze3A_195 = vector.extract %slice3A_194[0] : i32 from vector<1xi32>
      %mul3A_196 = arith.constant 16 : i32
      %mul3A_197 = arith.muli %scan3A_43, %mul3A_196 : i32
      %add3A_198 = arith.constant 5 : i32
      %add3A_199 = arith.addi %mul3A_197, %add3A_198 : i32
      %dma_start3A_200 = arith.constant 0 : i32
      %dma_start3A_201 = tpu.memref_slice %arg10[%add3A_199, %dma_start3A_200] : memref<256x64xf32, #tpu.memory_space<vmem>> -> memref<1x64xf32, #tpu.memory_space<vmem>>
      %dma_start3A_202 = arith.constant 0 : i32
      %dma_start3A_203 = tpu.memref_slice %arg2[%squeeze3A_195, %dma_start3A_202] : memref<1000000x64xf32, #tpu.memory_space<hbm>> -> memref<1x64xf32, #tpu.memory_space<hbm>>
      %dma_start3A_204 = arith.constant 0 : i32
      %dma_start3A_205 = tpu.memref_slice %arg10[%add3A_199, %dma_start3A_204] : memref<256x64xf32, #tpu.memory_space<vmem>> -> memref<1x64xf32, #tpu.memory_space<vmem>>
      %dma_start3A_206 = arith.constant 0 : i32
      %dma_start3A_207 = tpu.memref_slice %arg2[%squeeze3A_195, %dma_start3A_206] : memref<1000000x64xf32, #tpu.memory_space<hbm>> -> memref<1x64xf32, #tpu.memory_space<hbm>>
      tpu.enqueue_dma source(%dma_start3A_207 : memref<1x64xf32, #tpu.memory_space<hbm>>) target(%dma_start3A_205 : memref<1x64xf32, #tpu.memory_space<vmem>>) target_semaphore(%arg12 : memref<!tpu.dma_semaphore, #tpu.memory_space<semaphore_mem>>)
      %slice3A_208 = vector.extract_strided_slice %get3A_56 {offsets = [5], sizes = [1], strides = [1]} : vector<16xi32> to vector<1xi32>
      %squeeze3A_209 = vector.extract %slice3A_208[0] : i32 from vector<1xi32>
      %mul3A_210 = arith.constant 16 : i32
      %mul3A_211 = arith.muli %scan3A_43, %mul3A_210 : i32
      %add3A_212 = arith.constant 5 : i32
      %add3A_213 = arith.addi %mul3A_211, %add3A_212 : i32
      %dma_start3A_214 = arith.constant 0 : i32
      %dma_start3A_215 = tpu.memref_slice %arg11[%add3A_213, %dma_start3A_214] : memref<256x64xf32, #tpu.memory_space<vmem>> -> memref<1x64xf32, #tpu.memory_space<vmem>>
      %dma_start3A_216 = arith.constant 0 : i32
      %dma_start3A_217 = tpu.memref_slice %arg3[%squeeze3A_209, %dma_start3A_216] : memref<1000000x64xf32, #tpu.memory_space<hbm>> -> memref<1x64xf32, #tpu.memory_space<hbm>>
      %dma_start3A_218 = arith.constant 0 : i32
      %dma_start3A_219 = tpu.memref_slice %arg11[%add3A_213, %dma_start3A_218] : memref<256x64xf32, #tpu.memory_space<vmem>> -> memref<1x64xf32, #tpu.memory_space<vmem>>
      %dma_start3A_220 = arith.constant 0 : i32
      %dma_start3A_221 = tpu.memref_slice %arg3[%squeeze3A_209, %dma_start3A_220] : memref<1000000x64xf32, #tpu.memory_space<hbm>> -> memref<1x64xf32, #tpu.memory_space<hbm>>
      tpu.enqueue_dma source(%dma_start3A_221 : memref<1x64xf32, #tpu.memory_space<hbm>>) target(%dma_start3A_219 : memref<1x64xf32, #tpu.memory_space<vmem>>) target_semaphore(%arg13 : memref<!tpu.dma_semaphore, #tpu.memory_space<semaphore_mem>>)
      %slice3A_222 = vector.extract_strided_slice %get3A_49 {offsets = [6], sizes = [1], strides = [1]} : vector<16xi32> to vector<1xi32>
      %squeeze3A_223 = vector.extract %slice3A_222[0] : i32 from vector<1xi32>
      %mul3A_224 = arith.constant 16 : i32
      %mul3A_225 = arith.muli %scan3A_43, %mul3A_224 : i32
      %add3A_226 = arith.constant 6 : i32
      %add3A_227 = arith.addi %mul3A_225, %add3A_226 : i32
      %dma_start3A_228 = arith.constant 0 : i32
      %dma_start3A_229 = tpu.memref_slice %arg10[%add3A_227, %dma_start3A_228] : memref<256x64xf32, #tpu.memory_space<vmem>> -> memref<1x64xf32, #tpu.memory_space<vmem>>
      %dma_start3A_230 = arith.constant 0 : i32
      %dma_start3A_231 = tpu.memref_slice %arg2[%squeeze3A_223, %dma_start3A_230] : memref<1000000x64xf32, #tpu.memory_space<hbm>> -> memref<1x64xf32, #tpu.memory_space<hbm>>
      %dma_start3A_232 = arith.constant 0 : i32
      %dma_start3A_233 = tpu.memref_slice %arg10[%add3A_227, %dma_start3A_232] : memref<256x64xf32, #tpu.memory_space<vmem>> -> memref<1x64xf32, #tpu.memory_space<vmem>>
      %dma_start3A_234 = arith.constant 0 : i32
      %dma_start3A_235 = tpu.memref_slice %arg2[%squeeze3A_223, %dma_start3A_234] : memref<1000000x64xf32, #tpu.memory_space<hbm>> -> memref<1x64xf32, #tpu.memory_space<hbm>>
      tpu.enqueue_dma source(%dma_start3A_235 : memref<1x64xf32, #tpu.memory_space<hbm>>) target(%dma_start3A_233 : memref<1x64xf32, #tpu.memory_space<vmem>>) target_semaphore(%arg12 : memref<!tpu.dma_semaphore, #tpu.memory_space<semaphore_mem>>)
      %slice3A_236 = vector.extract_strided_slice %get3A_56 {offsets = [6], sizes = [1], strides = [1]} : vector<16xi32> to vector<1xi32>
      %squeeze3A_237 = vector.extract %slice3A_236[0] : i32 from vector<1xi32>
      %mul3A_238 = arith.constant 16 : i32
      %mul3A_239 = arith.muli %scan3A_43, %mul3A_238 : i32
      %add3A_240 = arith.constant 6 : i32
      %add3A_241 = arith.addi %mul3A_239, %add3A_240 : i32
      %dma_start3A_242 = arith.constant 0 : i32
      %dma_start3A_243 = tpu.memref_slice %arg11[%add3A_241, %dma_start3A_242] : memref<256x64xf32, #tpu.memory_space<vmem>> -> memref<1x64xf32, #tpu.memory_space<vmem>>
      %dma_start3A_244 = arith.constant 0 : i32
      %dma_start3A_245 = tpu.memref_slice %arg3[%squeeze3A_237, %dma_start3A_244] : memref<1000000x64xf32, #tpu.memory_space<hbm>> -> memref<1x64xf32, #tpu.memory_space<hbm>>
      %dma_start3A_246 = arith.constant 0 : i32
      %dma_start3A_247 = tpu.memref_slice %arg11[%add3A_241, %dma_start3A_246] : memref<256x64xf32, #tpu.memory_space<vmem>> -> memref<1x64xf32, #tpu.memory_space<vmem>>
      %dma_start3A_248 = arith.constant 0 : i32
      %dma_start3A_249 = tpu.memref_slice %arg3[%squeeze3A_237, %dma_start3A_248] : memref<1000000x64xf32, #tpu.memory_space<hbm>> -> memref<1x64xf32, #tpu.memory_space<hbm>>
      tpu.enqueue_dma source(%dma_start3A_249 : memref<1x64xf32, #tpu.memory_space<hbm>>) target(%dma_start3A_247 : memref<1x64xf32, #tpu.memory_space<vmem>>) target_semaphore(%arg13 : memref<!tpu.dma_semaphore, #tpu.memory_space<semaphore_mem>>)
      %slice3A_250 = vector.extract_strided_slice %get3A_49 {offsets = [7], sizes = [1], strides = [1]} : vector<16xi32> to vector<1xi32>
      %squeeze3A_251 = vector.extract %slice3A_250[0] : i32 from vector<1xi32>
      %mul3A_252 = arith.constant 16 : i32
      %mul3A_253 = arith.muli %scan3A_43, %mul3A_252 : i32
      %add3A_254 = arith.constant 7 : i32
      %add3A_255 = arith.addi %mul3A_253, %add3A_254 : i32
      %dma_start3A_256 = arith.constant 0 : i32
      %dma_start3A_257 = tpu.memref_slice %arg10[%add3A_255, %dma_start3A_256] : memref<256x64xf32, #tpu.memory_space<vmem>> -> memref<1x64xf32, #tpu.memory_space<vmem>>
      %dma_start3A_258 = arith.constant 0 : i32
      %dma_start3A_259 = tpu.memref_slice %arg2[%squeeze3A_251, %dma_start3A_258] : memref<1000000x64xf32, #tpu.memory_space<hbm>> -> memref<1x64xf32, #tpu.memory_space<hbm>>
      %dma_start3A_260 = arith.constant 0 : i32
      %dma_start3A_261 = tpu.memref_slice %arg10[%add3A_255, %dma_start3A_260] : memref<256x64xf32, #tpu.memory_space<vmem>> -> memref<1x64xf32, #tpu.memory_space<vmem>>
      %dma_start3A_262 = arith.constant 0 : i32
      %dma_start3A_263 = tpu.memref_slice %arg2[%squeeze3A_251, %dma_start3A_262] : memref<1000000x64xf32, #tpu.memory_space<hbm>> -> memref<1x64xf32, #tpu.memory_space<hbm>>
      tpu.enqueue_dma source(%dma_start3A_263 : memref<1x64xf32, #tpu.memory_space<hbm>>) target(%dma_start3A_261 : memref<1x64xf32, #tpu.memory_space<vmem>>) target_semaphore(%arg12 : memref<!tpu.dma_semaphore, #tpu.memory_space<semaphore_mem>>)
      %slice3A_264 = vector.extract_strided_slice %get3A_56 {offsets = [7], sizes = [1], strides = [1]} : vector<16xi32> to vector<1xi32>
      %squeeze3A_265 = vector.extract %slice3A_264[0] : i32 from vector<1xi32>
      %mul3A_266 = arith.constant 16 : i32
      %mul3A_267 = arith.muli %scan3A_43, %mul3A_266 : i32
      %add3A_268 = arith.constant 7 : i32
      %add3A_269 = arith.addi %mul3A_267, %add3A_268 : i32
      %dma_start3A_270 = arith.constant 0 : i32
      %dma_start3A_271 = tpu.memref_slice %arg11[%add3A_269, %dma_start3A_270] : memref<256x64xf32, #tpu.memory_space<vmem>> -> memref<1x64xf32, #tpu.memory_space<vmem>>
      %dma_start3A_272 = arith.constant 0 : i32
      %dma_start3A_273 = tpu.memref_slice %arg3[%squeeze3A_265, %dma_start3A_272] : memref<1000000x64xf32, #tpu.memory_space<hbm>> -> memref<1x64xf32, #tpu.memory_space<hbm>>
      %dma_start3A_274 = arith.constant 0 : i32
      %dma_start3A_275 = tpu.memref_slice %arg11[%add3A_269, %dma_start3A_274] : memref<256x64xf32, #tpu.memory_space<vmem>> -> memref<1x64xf32, #tpu.memory_space<vmem>>
      %dma_start3A_276 = arith.constant 0 : i32
      %dma_start3A_277 = tpu.memref_slice %arg3[%squeeze3A_265, %dma_start3A_276] : memref<1000000x64xf32, #tpu.memory_space<hbm>> -> memref<1x64xf32, #tpu.memory_space<hbm>>
      tpu.enqueue_dma source(%dma_start3A_277 : memref<1x64xf32, #tpu.memory_space<hbm>>) target(%dma_start3A_275 : memref<1x64xf32, #tpu.memory_space<vmem>>) target_semaphore(%arg13 : memref<!tpu.dma_semaphore, #tpu.memory_space<semaphore_mem>>)
      %slice3A_278 = vector.extract_strided_slice %get3A_49 {offsets = [8], sizes = [1], strides = [1]} : vector<16xi32> to vector<1xi32>
      %squeeze3A_279 = vector.extract %slice3A_278[0] : i32 from vector<1xi32>
      %mul3A_280 = arith.constant 16 : i32
      %mul3A_281 = arith.muli %scan3A_43, %mul3A_280 : i32
      %add3A_282 = arith.constant 8 : i32
      %add3A_283 = arith.addi %mul3A_281, %add3A_282 : i32
      %dma_start3A_284 = arith.constant 0 : i32
      %dma_start3A_285 = tpu.memref_slice %arg10[%add3A_283, %dma_start3A_284] : memref<256x64xf32, #tpu.memory_space<vmem>> -> memref<1x64xf32, #tpu.memory_space<vmem>>
      %dma_start3A_286 = arith.constant 0 : i32
      %dma_start3A_287 = tpu.memref_slice %arg2[%squeeze3A_279, %dma_start3A_286] : memref<1000000x64xf32, #tpu.memory_space<hbm>> -> memref<1x64xf32, #tpu.memory_space<hbm>>
      %dma_start3A_288 = arith.constant 0 : i32
      %dma_start3A_289 = tpu.memref_slice %arg10[%add3A_283, %dma_start3A_288] : memref<256x64xf32, #tpu.memory_space<vmem>> -> memref<1x64xf32, #tpu.memory_space<vmem>>
      %dma_start3A_290 = arith.constant 0 : i32
      %dma_start3A_291 = tpu.memref_slice %arg2[%squeeze3A_279, %dma_start3A_290] : memref<1000000x64xf32, #tpu.memory_space<hbm>> -> memref<1x64xf32, #tpu.memory_space<hbm>>
      tpu.enqueue_dma source(%dma_start3A_291 : memref<1x64xf32, #tpu.memory_space<hbm>>) target(%dma_start3A_289 : memref<1x64xf32, #tpu.memory_space<vmem>>) target_semaphore(%arg12 : memref<!tpu.dma_semaphore, #tpu.memory_space<semaphore_mem>>)
      %slice3A_292 = vector.extract_strided_slice %get3A_56 {offsets = [8], sizes = [1], strides = [1]} : vector<16xi32> to vector<1xi32>
      %squeeze3A_293 = vector.extract %slice3A_292[0] : i32 from vector<1xi32>
      %mul3A_294 = arith.constant 16 : i32
      %mul3A_295 = arith.muli %scan3A_43, %mul3A_294 : i32
      %add3A_296 = arith.constant 8 : i32
      %add3A_297 = arith.addi %mul3A_295, %add3A_296 : i32
      %dma_start3A_298 = arith.constant 0 : i32
      %dma_start3A_299 = tpu.memref_slice %arg11[%add3A_297, %dma_start3A_298] : memref<256x64xf32, #tpu.memory_space<vmem>> -> memref<1x64xf32, #tpu.memory_space<vmem>>
      %dma_start3A_300 = arith.constant 0 : i32
      %dma_start3A_301 = tpu.memref_slice %arg3[%squeeze3A_293, %dma_start3A_300] : memref<1000000x64xf32, #tpu.memory_space<hbm>> -> memref<1x64xf32, #tpu.memory_space<hbm>>
      %dma_start3A_302 = arith.constant 0 : i32
      %dma_start3A_303 = tpu.memref_slice %arg11[%add3A_297, %dma_start3A_302] : memref<256x64xf32, #tpu.memory_space<vmem>> -> memref<1x64xf32, #tpu.memory_space<vmem>>
      %dma_start3A_304 = arith.constant 0 : i32
      %dma_start3A_305 = tpu.memref_slice %arg3[%squeeze3A_293, %dma_start3A_304] : memref<1000000x64xf32, #tpu.memory_space<hbm>> -> memref<1x64xf32, #tpu.memory_space<hbm>>
      tpu.enqueue_dma source(%dma_start3A_305 : memref<1x64xf32, #tpu.memory_space<hbm>>) target(%dma_start3A_303 : memref<1x64xf32, #tpu.memory_space<vmem>>) target_semaphore(%arg13 : memref<!tpu.dma_semaphore, #tpu.memory_space<semaphore_mem>>)
      %slice3A_306 = vector.extract_strided_slice %get3A_49 {offsets = [9], sizes = [1], strides = [1]} : vector<16xi32> to vector<1xi32>
      %squeeze3A_307 = vector.extract %slice3A_306[0] : i32 from vector<1xi32>
      %mul3A_308 = arith.constant 16 : i32
      %mul3A_309 = arith.muli %scan3A_43, %mul3A_308 : i32
      %add3A_310 = arith.constant 9 : i32
      %add3A_311 = arith.addi %mul3A_309, %add3A_310 : i32
      %dma_start3A_312 = arith.constant 0 : i32
      %dma_start3A_313 = tpu.memref_slice %arg10[%add3A_311, %dma_start3A_312] : memref<256x64xf32, #tpu.memory_space<vmem>> -> memref<1x64xf32, #tpu.memory_space<vmem>>
      %dma_start3A_314 = arith.constant 0 : i32
      %dma_start3A_315 = tpu.memref_slice %arg2[%squeeze3A_307, %dma_start3A_314] : memref<1000000x64xf32, #tpu.memory_space<hbm>> -> memref<1x64xf32, #tpu.memory_space<hbm>>
      %dma_start3A_316 = arith.constant 0 : i32
      %dma_start3A_317 = tpu.memref_slice %arg10[%add3A_311, %dma_start3A_316] : memref<256x64xf32, #tpu.memory_space<vmem>> -> memref<1x64xf32, #tpu.memory_space<vmem>>
      %dma_start3A_318 = arith.constant 0 : i32
      %dma_start3A_319 = tpu.memref_slice %arg2[%squeeze3A_307, %dma_start3A_318] : memref<1000000x64xf32, #tpu.memory_space<hbm>> -> memref<1x64xf32, #tpu.memory_space<hbm>>
      tpu.enqueue_dma source(%dma_start3A_319 : memref<1x64xf32, #tpu.memory_space<hbm>>) target(%dma_start3A_317 : memref<1x64xf32, #tpu.memory_space<vmem>>) target_semaphore(%arg12 : memref<!tpu.dma_semaphore, #tpu.memory_space<semaphore_mem>>)
      %slice3A_320 = vector.extract_strided_slice %get3A_56 {offsets = [9], sizes = [1], strides = [1]} : vector<16xi32> to vector<1xi32>
      %squeeze3A_321 = vector.extract %slice3A_320[0] : i32 from vector<1xi32>
      %mul3A_322 = arith.constant 16 : i32
      %mul3A_323 = arith.muli %scan3A_43, %mul3A_322 : i32
      %add3A_324 = arith.constant 9 : i32
      %add3A_325 = arith.addi %mul3A_323, %add3A_324 : i32
      %dma_start3A_326 = arith.constant 0 : i32
      %dma_start3A_327 = tpu.memref_slice %arg11[%add3A_325, %dma_start3A_326] : memref<256x64xf32, #tpu.memory_space<vmem>> -> memref<1x64xf32, #tpu.memory_space<vmem>>
      %dma_start3A_328 = arith.constant 0 : i32
      %dma_start3A_329 = tpu.memref_slice %arg3[%squeeze3A_321, %dma_start3A_328] : memref<1000000x64xf32, #tpu.memory_space<hbm>> -> memref<1x64xf32, #tpu.memory_space<hbm>>
      %dma_start3A_330 = arith.constant 0 : i32
      %dma_start3A_331 = tpu.memref_slice %arg11[%add3A_325, %dma_start3A_330] : memref<256x64xf32, #tpu.memory_space<vmem>> -> memref<1x64xf32, #tpu.memory_space<vmem>>
      %dma_start3A_332 = arith.constant 0 : i32
      %dma_start3A_333 = tpu.memref_slice %arg3[%squeeze3A_321, %dma_start3A_332] : memref<1000000x64xf32, #tpu.memory_space<hbm>> -> memref<1x64xf32, #tpu.memory_space<hbm>>
      tpu.enqueue_dma source(%dma_start3A_333 : memref<1x64xf32, #tpu.memory_space<hbm>>) target(%dma_start3A_331 : memref<1x64xf32, #tpu.memory_space<vmem>>) target_semaphore(%arg13 : memref<!tpu.dma_semaphore, #tpu.memory_space<semaphore_mem>>)
      %slice3A_334 = vector.extract_strided_slice %get3A_49 {offsets = [10], sizes = [1], strides = [1]} : vector<16xi32> to vector<1xi32>
      %squeeze3A_335 = vector.extract %slice3A_334[0] : i32 from vector<1xi32>
      %mul3A_336 = arith.constant 16 : i32
      %mul3A_337 = arith.muli %scan3A_43, %mul3A_336 : i32
      %add3A_338 = arith.constant 10 : i32
      %add3A_339 = arith.addi %mul3A_337, %add3A_338 : i32
      %dma_start3A_340 = arith.constant 0 : i32
      %dma_start3A_341 = tpu.memref_slice %arg10[%add3A_339, %dma_start3A_340] : memref<256x64xf32, #tpu.memory_space<vmem>> -> memref<1x64xf32, #tpu.memory_space<vmem>>
      %dma_start3A_342 = arith.constant 0 : i32
      %dma_start3A_343 = tpu.memref_slice %arg2[%squeeze3A_335, %dma_start3A_342] : memref<1000000x64xf32, #tpu.memory_space<hbm>> -> memref<1x64xf32, #tpu.memory_space<hbm>>
      %dma_start3A_344 = arith.constant 0 : i32
      %dma_start3A_345 = tpu.memref_slice %arg10[%add3A_339, %dma_start3A_344] : memref<256x64xf32, #tpu.memory_space<vmem>> -> memref<1x64xf32, #tpu.memory_space<vmem>>
      %dma_start3A_346 = arith.constant 0 : i32
      %dma_start3A_347 = tpu.memref_slice %arg2[%squeeze3A_335, %dma_start3A_346] : memref<1000000x64xf32, #tpu.memory_space<hbm>> -> memref<1x64xf32, #tpu.memory_space<hbm>>
      tpu.enqueue_dma source(%dma_start3A_347 : memref<1x64xf32, #tpu.memory_space<hbm>>) target(%dma_start3A_345 : memref<1x64xf32, #tpu.memory_space<vmem>>) target_semaphore(%arg12 : memref<!tpu.dma_semaphore, #tpu.memory_space<semaphore_mem>>)
      %slice3A_348 = vector.extract_strided_slice %get3A_56 {offsets = [10], sizes = [1], strides = [1]} : vector<16xi32> to vector<1xi32>
      %squeeze3A_349 = vector.extract %slice3A_348[0] : i32 from vector<1xi32>
      %mul3A_350 = arith.constant 16 : i32
      %mul3A_351 = arith.muli %scan3A_43, %mul3A_350 : i32
      %add3A_352 = arith.constant 10 : i32
      %add3A_353 = arith.addi %mul3A_351, %add3A_352 : i32
      %dma_start3A_354 = arith.constant 0 : i32
      %dma_start3A_355 = tpu.memref_slice %arg11[%add3A_353, %dma_start3A_354] : memref<256x64xf32, #tpu.memory_space<vmem>> -> memref<1x64xf32, #tpu.memory_space<vmem>>
      %dma_start3A_356 = arith.constant 0 : i32
      %dma_start3A_357 = tpu.memref_slice %arg3[%squeeze3A_349, %dma_start3A_356] : memref<1000000x64xf32, #tpu.memory_space<hbm>> -> memref<1x64xf32, #tpu.memory_space<hbm>>
      %dma_start3A_358 = arith.constant 0 : i32
      %dma_start3A_359 = tpu.memref_slice %arg11[%add3A_353, %dma_start3A_358] : memref<256x64xf32, #tpu.memory_space<vmem>> -> memref<1x64xf32, #tpu.memory_space<vmem>>
      %dma_start3A_360 = arith.constant 0 : i32
      %dma_start3A_361 = tpu.memref_slice %arg3[%squeeze3A_349, %dma_start3A_360] : memref<1000000x64xf32, #tpu.memory_space<hbm>> -> memref<1x64xf32, #tpu.memory_space<hbm>>
      tpu.enqueue_dma source(%dma_start3A_361 : memref<1x64xf32, #tpu.memory_space<hbm>>) target(%dma_start3A_359 : memref<1x64xf32, #tpu.memory_space<vmem>>) target_semaphore(%arg13 : memref<!tpu.dma_semaphore, #tpu.memory_space<semaphore_mem>>)
      %slice3A_362 = vector.extract_strided_slice %get3A_49 {offsets = [11], sizes = [1], strides = [1]} : vector<16xi32> to vector<1xi32>
      %squeeze3A_363 = vector.extract %slice3A_362[0] : i32 from vector<1xi32>
      %mul3A_364 = arith.constant 16 : i32
      %mul3A_365 = arith.muli %scan3A_43, %mul3A_364 : i32
      %add3A_366 = arith.constant 11 : i32
      %add3A_367 = arith.addi %mul3A_365, %add3A_366 : i32
      %dma_start3A_368 = arith.constant 0 : i32
      %dma_start3A_369 = tpu.memref_slice %arg10[%add3A_367, %dma_start3A_368] : memref<256x64xf32, #tpu.memory_space<vmem>> -> memref<1x64xf32, #tpu.memory_space<vmem>>
      %dma_start3A_370 = arith.constant 0 : i32
      %dma_start3A_371 = tpu.memref_slice %arg2[%squeeze3A_363, %dma_start3A_370] : memref<1000000x64xf32, #tpu.memory_space<hbm>> -> memref<1x64xf32, #tpu.memory_space<hbm>>
      %dma_start3A_372 = arith.constant 0 : i32
      %dma_start3A_373 = tpu.memref_slice %arg10[%add3A_367, %dma_start3A_372] : memref<256x64xf32, #tpu.memory_space<vmem>> -> memref<1x64xf32, #tpu.memory_space<vmem>>
      %dma_start3A_374 = arith.constant 0 : i32
      %dma_start3A_375 = tpu.memref_slice %arg2[%squeeze3A_363, %dma_start3A_374] : memref<1000000x64xf32, #tpu.memory_space<hbm>> -> memref<1x64xf32, #tpu.memory_space<hbm>>
      tpu.enqueue_dma source(%dma_start3A_375 : memref<1x64xf32, #tpu.memory_space<hbm>>) target(%dma_start3A_373 : memref<1x64xf32, #tpu.memory_space<vmem>>) target_semaphore(%arg12 : memref<!tpu.dma_semaphore, #tpu.memory_space<semaphore_mem>>)
      %slice3A_376 = vector.extract_strided_slice %get3A_56 {offsets = [11], sizes = [1], strides = [1]} : vector<16xi32> to vector<1xi32>
      %squeeze3A_377 = vector.extract %slice3A_376[0] : i32 from vector<1xi32>
      %mul3A_378 = arith.constant 16 : i32
      %mul3A_379 = arith.muli %scan3A_43, %mul3A_378 : i32
      %add3A_380 = arith.constant 11 : i32
      %add3A_381 = arith.addi %mul3A_379, %add3A_380 : i32
      %dma_start3A_382 = arith.constant 0 : i32
      %dma_start3A_383 = tpu.memref_slice %arg11[%add3A_381, %dma_start3A_382] : memref<256x64xf32, #tpu.memory_space<vmem>> -> memref<1x64xf32, #tpu.memory_space<vmem>>
      %dma_start3A_384 = arith.constant 0 : i32
      %dma_start3A_385 = tpu.memref_slice %arg3[%squeeze3A_377, %dma_start3A_384] : memref<1000000x64xf32, #tpu.memory_space<hbm>> -> memref<1x64xf32, #tpu.memory_space<hbm>>
      %dma_start3A_386 = arith.constant 0 : i32
      %dma_start3A_387 = tpu.memref_slice %arg11[%add3A_381, %dma_start3A_386] : memref<256x64xf32, #tpu.memory_space<vmem>> -> memref<1x64xf32, #tpu.memory_space<vmem>>
      %dma_start3A_388 = arith.constant 0 : i32
      %dma_start3A_389 = tpu.memref_slice %arg3[%squeeze3A_377, %dma_start3A_388] : memref<1000000x64xf32, #tpu.memory_space<hbm>> -> memref<1x64xf32, #tpu.memory_space<hbm>>
      tpu.enqueue_dma source(%dma_start3A_389 : memref<1x64xf32, #tpu.memory_space<hbm>>) target(%dma_start3A_387 : memref<1x64xf32, #tpu.memory_space<vmem>>) target_semaphore(%arg13 : memref<!tpu.dma_semaphore, #tpu.memory_space<semaphore_mem>>)
      %slice3A_390 = vector.extract_strided_slice %get3A_49 {offsets = [12], sizes = [1], strides = [1]} : vector<16xi32> to vector<1xi32>
      %squeeze3A_391 = vector.extract %slice3A_390[0] : i32 from vector<1xi32>
      %mul3A_392 = arith.constant 16 : i32
      %mul3A_393 = arith.muli %scan3A_43, %mul3A_392 : i32
      %add3A_394 = arith.constant 12 : i32
      %add3A_395 = arith.addi %mul3A_393, %add3A_394 : i32
      %dma_start3A_396 = arith.constant 0 : i32
      %dma_start3A_397 = tpu.memref_slice %arg10[%add3A_395, %dma_start3A_396] : memref<256x64xf32, #tpu.memory_space<vmem>> -> memref<1x64xf32, #tpu.memory_space<vmem>>
      %dma_start3A_398 = arith.constant 0 : i32
      %dma_start3A_399 = tpu.memref_slice %arg2[%squeeze3A_391, %dma_start3A_398] : memref<1000000x64xf32, #tpu.memory_space<hbm>> -> memref<1x64xf32, #tpu.memory_space<hbm>>
      %dma_start3A_400 = arith.constant 0 : i32
      %dma_start3A_401 = tpu.memref_slice %arg10[%add3A_395, %dma_start3A_400] : memref<256x64xf32, #tpu.memory_space<vmem>> -> memref<1x64xf32, #tpu.memory_space<vmem>>
      %dma_start3A_402 = arith.constant 0 : i32
      %dma_start3A_403 = tpu.memref_slice %arg2[%squeeze3A_391, %dma_start3A_402] : memref<1000000x64xf32, #tpu.memory_space<hbm>> -> memref<1x64xf32, #tpu.memory_space<hbm>>
      tpu.enqueue_dma source(%dma_start3A_403 : memref<1x64xf32, #tpu.memory_space<hbm>>) target(%dma_start3A_401 : memref<1x64xf32, #tpu.memory_space<vmem>>) target_semaphore(%arg12 : memref<!tpu.dma_semaphore, #tpu.memory_space<semaphore_mem>>)
      %slice3A_404 = vector.extract_strided_slice %get3A_56 {offsets = [12], sizes = [1], strides = [1]} : vector<16xi32> to vector<1xi32>
      %squeeze3A_405 = vector.extract %slice3A_404[0] : i32 from vector<1xi32>
      %mul3A_406 = arith.constant 16 : i32
      %mul3A_407 = arith.muli %scan3A_43, %mul3A_406 : i32
      %add3A_408 = arith.constant 12 : i32
      %add3A_409 = arith.addi %mul3A_407, %add3A_408 : i32
      %dma_start3A_410 = arith.constant 0 : i32
      %dma_start3A_411 = tpu.memref_slice %arg11[%add3A_409, %dma_start3A_410] : memref<256x64xf32, #tpu.memory_space<vmem>> -> memref<1x64xf32, #tpu.memory_space<vmem>>
      %dma_start3A_412 = arith.constant 0 : i32
      %dma_start3A_413 = tpu.memref_slice %arg3[%squeeze3A_405, %dma_start3A_412] : memref<1000000x64xf32, #tpu.memory_space<hbm>> -> memref<1x64xf32, #tpu.memory_space<hbm>>
      %dma_start3A_414 = arith.constant 0 : i32
      %dma_start3A_415 = tpu.memref_slice %arg11[%add3A_409, %dma_start3A_414] : memref<256x64xf32, #tpu.memory_space<vmem>> -> memref<1x64xf32, #tpu.memory_space<vmem>>
      %dma_start3A_416 = arith.constant 0 : i32
      %dma_start3A_417 = tpu.memref_slice %arg3[%squeeze3A_405, %dma_start3A_416] : memref<1000000x64xf32, #tpu.memory_space<hbm>> -> memref<1x64xf32, #tpu.memory_space<hbm>>
      tpu.enqueue_dma source(%dma_start3A_417 : memref<1x64xf32, #tpu.memory_space<hbm>>) target(%dma_start3A_415 : memref<1x64xf32, #tpu.memory_space<vmem>>) target_semaphore(%arg13 : memref<!tpu.dma_semaphore, #tpu.memory_space<semaphore_mem>>)
      %slice3A_418 = vector.extract_strided_slice %get3A_49 {offsets = [13], sizes = [1], strides = [1]} : vector<16xi32> to vector<1xi32>
      %squeeze3A_419 = vector.extract %slice3A_418[0] : i32 from vector<1xi32>
      %mul3A_420 = arith.constant 16 : i32
      %mul3A_421 = arith.muli %scan3A_43, %mul3A_420 : i32
      %add3A_422 = arith.constant 13 : i32
      %add3A_423 = arith.addi %mul3A_421, %add3A_422 : i32
      %dma_start3A_424 = arith.constant 0 : i32
      %dma_start3A_425 = tpu.memref_slice %arg10[%add3A_423, %dma_start3A_424] : memref<256x64xf32, #tpu.memory_space<vmem>> -> memref<1x64xf32, #tpu.memory_space<vmem>>
      %dma_start3A_426 = arith.constant 0 : i32
      %dma_start3A_427 = tpu.memref_slice %arg2[%squeeze3A_419, %dma_start3A_426] : memref<1000000x64xf32, #tpu.memory_space<hbm>> -> memref<1x64xf32, #tpu.memory_space<hbm>>
      %dma_start3A_428 = arith.constant 0 : i32
      %dma_start3A_429 = tpu.memref_slice %arg10[%add3A_423, %dma_start3A_428] : memref<256x64xf32, #tpu.memory_space<vmem>> -> memref<1x64xf32, #tpu.memory_space<vmem>>
      %dma_start3A_430 = arith.constant 0 : i32
      %dma_start3A_431 = tpu.memref_slice %arg2[%squeeze3A_419, %dma_start3A_430] : memref<1000000x64xf32, #tpu.memory_space<hbm>> -> memref<1x64xf32, #tpu.memory_space<hbm>>
      tpu.enqueue_dma source(%dma_start3A_431 : memref<1x64xf32, #tpu.memory_space<hbm>>) target(%dma_start3A_429 : memref<1x64xf32, #tpu.memory_space<vmem>>) target_semaphore(%arg12 : memref<!tpu.dma_semaphore, #tpu.memory_space<semaphore_mem>>)
      %slice3A_432 = vector.extract_strided_slice %get3A_56 {offsets = [13], sizes = [1], strides = [1]} : vector<16xi32> to vector<1xi32>
      %squeeze3A_433 = vector.extract %slice3A_432[0] : i32 from vector<1xi32>
      %mul3A_434 = arith.constant 16 : i32
      %mul3A_435 = arith.muli %scan3A_43, %mul3A_434 : i32
      %add3A_436 = arith.constant 13 : i32
      %add3A_437 = arith.addi %mul3A_435, %add3A_436 : i32
      %dma_start3A_438 = arith.constant 0 : i32
      %dma_start3A_439 = tpu.memref_slice %arg11[%add3A_437, %dma_start3A_438] : memref<256x64xf32, #tpu.memory_space<vmem>> -> memref<1x64xf32, #tpu.memory_space<vmem>>
      %dma_start3A_440 = arith.constant 0 : i32
      %dma_start3A_441 = tpu.memref_slice %arg3[%squeeze3A_433, %dma_start3A_440] : memref<1000000x64xf32, #tpu.memory_space<hbm>> -> memref<1x64xf32, #tpu.memory_space<hbm>>
      %dma_start3A_442 = arith.constant 0 : i32
      %dma_start3A_443 = tpu.memref_slice %arg11[%add3A_437, %dma_start3A_442] : memref<256x64xf32, #tpu.memory_space<vmem>> -> memref<1x64xf32, #tpu.memory_space<vmem>>
      %dma_start3A_444 = arith.constant 0 : i32
      %dma_start3A_445 = tpu.memref_slice %arg3[%squeeze3A_433, %dma_start3A_444] : memref<1000000x64xf32, #tpu.memory_space<hbm>> -> memref<1x64xf32, #tpu.memory_space<hbm>>
      tpu.enqueue_dma source(%dma_start3A_445 : memref<1x64xf32, #tpu.memory_space<hbm>>) target(%dma_start3A_443 : memref<1x64xf32, #tpu.memory_space<vmem>>) target_semaphore(%arg13 : memref<!tpu.dma_semaphore, #tpu.memory_space<semaphore_mem>>)
      %slice3A_446 = vector.extract_strided_slice %get3A_49 {offsets = [14], sizes = [1], strides = [1]} : vector<16xi32> to vector<1xi32>
      %squeeze3A_447 = vector.extract %slice3A_446[0] : i32 from vector<1xi32>
      %mul3A_448 = arith.constant 16 : i32
      %mul3A_449 = arith.muli %scan3A_43, %mul3A_448 : i32
      %add3A_450 = arith.constant 14 : i32
      %add3A_451 = arith.addi %mul3A_449, %add3A_450 : i32
      %dma_start3A_452 = arith.constant 0 : i32
      %dma_start3A_453 = tpu.memref_slice %arg10[%add3A_451, %dma_start3A_452] : memref<256x64xf32, #tpu.memory_space<vmem>> -> memref<1x64xf32, #tpu.memory_space<vmem>>
      %dma_start3A_454 = arith.constant 0 : i32
      %dma_start3A_455 = tpu.memref_slice %arg2[%squeeze3A_447, %dma_start3A_454] : memref<1000000x64xf32, #tpu.memory_space<hbm>> -> memref<1x64xf32, #tpu.memory_space<hbm>>
      %dma_start3A_456 = arith.constant 0 : i32
      %dma_start3A_457 = tpu.memref_slice %arg10[%add3A_451, %dma_start3A_456] : memref<256x64xf32, #tpu.memory_space<vmem>> -> memref<1x64xf32, #tpu.memory_space<vmem>>
      %dma_start3A_458 = arith.constant 0 : i32
      %dma_start3A_459 = tpu.memref_slice %arg2[%squeeze3A_447, %dma_start3A_458] : memref<1000000x64xf32, #tpu.memory_space<hbm>> -> memref<1x64xf32, #tpu.memory_space<hbm>>
      tpu.enqueue_dma source(%dma_start3A_459 : memref<1x64xf32, #tpu.memory_space<hbm>>) target(%dma_start3A_457 : memref<1x64xf32, #tpu.memory_space<vmem>>) target_semaphore(%arg12 : memref<!tpu.dma_semaphore, #tpu.memory_space<semaphore_mem>>)
      %slice3A_460 = vector.extract_strided_slice %get3A_56 {offsets = [14], sizes = [1], strides = [1]} : vector<16xi32> to vector<1xi32>
      %squeeze3A_461 = vector.extract %slice3A_460[0] : i32 from vector<1xi32>
      %mul3A_462 = arith.constant 16 : i32
      %mul3A_463 = arith.muli %scan3A_43, %mul3A_462 : i32
      %add3A_464 = arith.constant 14 : i32
      %add3A_465 = arith.addi %mul3A_463, %add3A_464 : i32
      %dma_start3A_466 = arith.constant 0 : i32
      %dma_start3A_467 = tpu.memref_slice %arg11[%add3A_465, %dma_start3A_466] : memref<256x64xf32, #tpu.memory_space<vmem>> -> memref<1x64xf32, #tpu.memory_space<vmem>>
      %dma_start3A_468 = arith.constant 0 : i32
      %dma_start3A_469 = tpu.memref_slice %arg3[%squeeze3A_461, %dma_start3A_468] : memref<1000000x64xf32, #tpu.memory_space<hbm>> -> memref<1x64xf32, #tpu.memory_space<hbm>>
      %dma_start3A_470 = arith.constant 0 : i32
      %dma_start3A_471 = tpu.memref_slice %arg11[%add3A_465, %dma_start3A_470] : memref<256x64xf32, #tpu.memory_space<vmem>> -> memref<1x64xf32, #tpu.memory_space<vmem>>
      %dma_start3A_472 = arith.constant 0 : i32
      %dma_start3A_473 = tpu.memref_slice %arg3[%squeeze3A_461, %dma_start3A_472] : memref<1000000x64xf32, #tpu.memory_space<hbm>> -> memref<1x64xf32, #tpu.memory_space<hbm>>
      tpu.enqueue_dma source(%dma_start3A_473 : memref<1x64xf32, #tpu.memory_space<hbm>>) target(%dma_start3A_471 : memref<1x64xf32, #tpu.memory_space<vmem>>) target_semaphore(%arg13 : memref<!tpu.dma_semaphore, #tpu.memory_space<semaphore_mem>>)
      %slice3A_474 = vector.extract_strided_slice %get3A_49 {offsets = [15], sizes = [1], strides = [1]} : vector<16xi32> to vector<1xi32>
      %squeeze3A_475 = vector.extract %slice3A_474[0] : i32 from vector<1xi32>
      %mul3A_476 = arith.constant 16 : i32
      %mul3A_477 = arith.muli %scan3A_43, %mul3A_476 : i32
      %add3A_478 = arith.constant 15 : i32
      %add3A_479 = arith.addi %mul3A_477, %add3A_478 : i32
      %dma_start3A_480 = arith.constant 0 : i32
      %dma_start3A_481 = tpu.memref_slice %arg10[%add3A_479, %dma_start3A_480] : memref<256x64xf32, #tpu.memory_space<vmem>> -> memref<1x64xf32, #tpu.memory_space<vmem>>
      %dma_start3A_482 = arith.constant 0 : i32
      %dma_start3A_483 = tpu.memref_slice %arg2[%squeeze3A_475, %dma_start3A_482] : memref<1000000x64xf32, #tpu.memory_space<hbm>> -> memref<1x64xf32, #tpu.memory_space<hbm>>
      %dma_start3A_484 = arith.constant 0 : i32
      %dma_start3A_485 = tpu.memref_slice %arg10[%add3A_479, %dma_start3A_484] : memref<256x64xf32, #tpu.memory_space<vmem>> -> memref<1x64xf32, #tpu.memory_space<vmem>>
      %dma_start3A_486 = arith.constant 0 : i32
      %dma_start3A_487 = tpu.memref_slice %arg2[%squeeze3A_475, %dma_start3A_486] : memref<1000000x64xf32, #tpu.memory_space<hbm>> -> memref<1x64xf32, #tpu.memory_space<hbm>>
      tpu.enqueue_dma source(%dma_start3A_487 : memref<1x64xf32, #tpu.memory_space<hbm>>) target(%dma_start3A_485 : memref<1x64xf32, #tpu.memory_space<vmem>>) target_semaphore(%arg12 : memref<!tpu.dma_semaphore, #tpu.memory_space<semaphore_mem>>)
      %slice3A_488 = vector.extract_strided_slice %get3A_56 {offsets = [15], sizes = [1], strides = [1]} : vector<16xi32> to vector<1xi32>
      %squeeze3A_489 = vector.extract %slice3A_488[0] : i32 from vector<1xi32>
      %mul3A_490 = arith.constant 16 : i32
      %mul3A_491 = arith.muli %scan3A_43, %mul3A_490 : i32
      %add3A_492 = arith.constant 15 : i32
      %add3A_493 = arith.addi %mul3A_491, %add3A_492 : i32
      %dma_start3A_494 = arith.constant 0 : i32
      %dma_start3A_495 = tpu.memref_slice %arg11[%add3A_493, %dma_start3A_494] : memref<256x64xf32, #tpu.memory_space<vmem>> -> memref<1x64xf32, #tpu.memory_space<vmem>>
      %dma_start3A_496 = arith.constant 0 : i32
      %dma_start3A_497 = tpu.memref_slice %arg3[%squeeze3A_489, %dma_start3A_496] : memref<1000000x64xf32, #tpu.memory_space<hbm>> -> memref<1x64xf32, #tpu.memory_space<hbm>>
      %dma_start3A_498 = arith.constant 0 : i32
      %dma_start3A_499 = tpu.memref_slice %arg11[%add3A_493, %dma_start3A_498] : memref<256x64xf32, #tpu.memory_space<vmem>> -> memref<1x64xf32, #tpu.memory_space<vmem>>
      %dma_start3A_500 = arith.constant 0 : i32
      %dma_start3A_501 = tpu.memref_slice %arg3[%squeeze3A_489, %dma_start3A_500] : memref<1000000x64xf32, #tpu.memory_space<hbm>> -> memref<1x64xf32, #tpu.memory_space<hbm>>
      tpu.enqueue_dma source(%dma_start3A_501 : memref<1x64xf32, #tpu.memory_space<hbm>>) target(%dma_start3A_499 : memref<1x64xf32, #tpu.memory_space<vmem>>) target_semaphore(%arg13 : memref<!tpu.dma_semaphore, #tpu.memory_space<semaphore_mem>>)
    }
    %scan3A_26 = arith.constant 16 : i32
    %dma_wait3A_27 = arith.constant 0 : i32
    %dma_wait3A_28 = arith.constant 0 : i32
    %dma_wait3A_29 = tpu.memref_slice %arg2[%dma_wait3A_27, %dma_wait3A_28] : memref<1000000x64xf32, #tpu.memory_space<hbm>> -> memref<256x64xf32, #tpu.memory_space<hbm>>
    %dma_wait3A_30 = arith.constant 0 : i32
    %dma_wait3A_31 = arith.constant 0 : i32
    %dma_wait3A_32 = tpu.memref_slice %arg2[%dma_wait3A_30, %dma_wait3A_31] : memref<1000000x64xf32, #tpu.memory_space<hbm>> -> memref<256x64xf32, #tpu.memory_space<hbm>>
    tpu.wait_dma2 semaphore(%arg12 : memref<!tpu.dma_semaphore, #tpu.memory_space<semaphore_mem>>) src(%dma_wait3A_32 : memref<256x64xf32, #tpu.memory_space<hbm>>) dst(%arg10 : memref<256x64xf32, #tpu.memory_space<vmem>>)
    %dma_wait3A_33 = arith.constant 0 : i32
    %dma_wait3A_34 = arith.constant 0 : i32
    %dma_wait3A_35 = tpu.memref_slice %arg3[%dma_wait3A_33, %dma_wait3A_34] : memref<1000000x64xf32, #tpu.memory_space<hbm>> -> memref<256x64xf32, #tpu.memory_space<hbm>>
    %dma_wait3A_36 = arith.constant 0 : i32
    %dma_wait3A_37 = arith.constant 0 : i32
    %dma_wait3A_38 = tpu.memref_slice %arg3[%dma_wait3A_36, %dma_wait3A_37] : memref<1000000x64xf32, #tpu.memory_space<hbm>> -> memref<256x64xf32, #tpu.memory_space<hbm>>
    tpu.wait_dma2 semaphore(%arg13 : memref<!tpu.dma_semaphore, #tpu.memory_space<semaphore_mem>>) src(%dma_wait3A_38 : memref<256x64xf32, #tpu.memory_space<hbm>>) dst(%arg11 : memref<256x64xf32, #tpu.memory_space<vmem>>)
    %add3A_39 = arith.constant 256 : i32
    %add3A_40 = arith.addi %mul3A_2, %add3A_39 : i32
    "tpu.region"() ({
      %run_scoped3A = tpu.sem_alloc : memref<!tpu.dma_semaphore, #tpu.memory_space<semaphore_mem>>
      %dma_start3A = arith.constant 0 : i32
      %dma_start3A_43 = tpu.memref_slice %arg6[%add3A_40, %dma_start3A] : memref<16384x64xf32, #tpu.memory_space<hbm>> -> memref<256x64xf32, #tpu.memory_space<hbm>>
      %dma_start3A_44 = arith.constant 0 : i32
      %dma_start3A_45 = tpu.memref_slice %arg6[%add3A_40, %dma_start3A_44] : memref<16384x64xf32, #tpu.memory_space<hbm>> -> memref<256x64xf32, #tpu.memory_space<hbm>>
      tpu.enqueue_dma source(%arg10 : memref<256x64xf32, #tpu.memory_space<vmem>>) target(%dma_start3A_45 : memref<256x64xf32, #tpu.memory_space<hbm>>) target_semaphore(%run_scoped3A : memref<!tpu.dma_semaphore, #tpu.memory_space<semaphore_mem>>)
      %dma_wait3A_46 = arith.constant 0 : i32
      %dma_wait3A_47 = tpu.memref_slice %arg6[%add3A_40, %dma_wait3A_46] : memref<16384x64xf32, #tpu.memory_space<hbm>> -> memref<256x64xf32, #tpu.memory_space<hbm>>
      %dma_wait3A_48 = arith.constant 0 : i32
      %dma_wait3A_49 = tpu.memref_slice %arg6[%add3A_40, %dma_wait3A_48] : memref<16384x64xf32, #tpu.memory_space<hbm>> -> memref<256x64xf32, #tpu.memory_space<hbm>>
      tpu.wait_dma2 semaphore(%run_scoped3A : memref<!tpu.dma_semaphore, #tpu.memory_space<semaphore_mem>>) src(%arg10 : memref<256x64xf32, #tpu.memory_space<vmem>>) dst(%dma_wait3A_49 : memref<256x64xf32, #tpu.memory_space<hbm>>)
      tpu.yield
    }) : () -> ()
    %add3A_41 = arith.constant 256 : i32
    %add3A_42 = arith.addi %mul3A_2, %add3A_41 : i32
    "tpu.region"() ({
      %run_scoped3A = tpu.sem_alloc : memref<!tpu.dma_semaphore, #tpu.memory_space<semaphore_mem>>
      %dma_start3A = arith.constant 0 : i32
      %dma_start3A_43 = tpu.memref_slice %arg7[%add3A_42, %dma_start3A] : memref<16384x64xf32, #tpu.memory_space<hbm>> -> memref<256x64xf32, #tpu.memory_space<hbm>>
      %dma_start3A_44 = arith.constant 0 : i32
      %dma_start3A_45 = tpu.memref_slice %arg7[%add3A_42, %dma_start3A_44] : memref<16384x64xf32, #tpu.memory_space<hbm>> -> memref<256x64xf32, #tpu.memory_space<hbm>>
      tpu.enqueue_dma source(%arg11 : memref<256x64xf32, #tpu.memory_space<vmem>>) target(%dma_start3A_45 : memref<256x64xf32, #tpu.memory_space<hbm>>) target_semaphore(%run_scoped3A : memref<!tpu.dma_semaphore, #tpu.memory_space<semaphore_mem>>)
      %dma_wait3A_46 = arith.constant 0 : i32
      %dma_wait3A_47 = tpu.memref_slice %arg7[%add3A_42, %dma_wait3A_46] : memref<16384x64xf32, #tpu.memory_space<hbm>> -> memref<256x64xf32, #tpu.memory_space<hbm>>
      %dma_wait3A_48 = arith.constant 0 : i32
      %dma_wait3A_49 = tpu.memref_slice %arg7[%add3A_42, %dma_wait3A_48] : memref<16384x64xf32, #tpu.memory_space<hbm>> -> memref<256x64xf32, #tpu.memory_space<hbm>>
      tpu.wait_dma2 semaphore(%run_scoped3A : memref<!tpu.dma_semaphore, #tpu.memory_space<semaphore_mem>>) src(%arg11 : memref<256x64xf32, #tpu.memory_space<vmem>>) dst(%dma_wait3A_49 : memref<256x64xf32, #tpu.memory_space<hbm>>)
      tpu.yield
    }) : () -> ()
    return
  }
}

module attributes {stable_mosaic.version = 14 : i64} {
  func.func @_mlp_body(%arg0: memref<16384x64xf32, #tpu.memory_space<vmem>>, %arg1: memref<16384x64xf32, #tpu.memory_space<vmem>>, %arg2: memref<64x128xf32, #tpu.memory_space<vmem>>, %arg3: memref<64x128xf32, #tpu.memory_space<vmem>>, %arg4: memref<1x128xf32, #tpu.memory_space<vmem>>, %arg5: memref<1x128xf32, #tpu.memory_space<vmem>>, %arg6: memref<1x128xf32, #tpu.memory_space<vmem>>, %arg7: memref<128x64xf32, #tpu.memory_space<vmem>>, %arg8: memref<1x64xf32, #tpu.memory_space<vmem>>, %arg9: memref<1x64xf32, #tpu.memory_space<vmem>>, %arg10: memref<1x64xf32, #tpu.memory_space<vmem>>, %arg11: memref<1x64xf32, #tpu.memory_space<vmem>>, %arg12: memref<1x1xf32, #tpu.memory_space<vmem>>, %arg13: memref<16384xf32, #tpu.memory_space<vmem>>) attributes {dimension_semantics = [], scalar_prefetch = 0 : i64, scratch_operands = 0 : i64, tpu.core_type = #tpu.core_type<tc>} {
    %get3A = arith.constant 0 : index
    %get3A_0 = arith.constant 0 : index
    %get3A_1 = vector.load %arg0[%get3A, %get3A_0] : memref<16384x64xf32, #tpu.memory_space<vmem>>, vector<16384x64xf32>
    %get3A_2 = arith.constant 0 : index
    %get3A_3 = arith.constant 0 : index
    %get3A_4 = vector.load %arg2[%get3A_2, %get3A_3] : memref<64x128xf32, #tpu.memory_space<vmem>>, vector<64x128xf32>
    %dot_general3A = arith.constant dense<0.000000e+00> : vector<16384x128xf32>
    %dot_general3A_5 = tpu.matmul %get3A_1, %get3A_4, %dot_general3A {dimension_numbers = #tpu.dot_dimension_numbers<[1], [0], [0], [1], [0, 0, 1, 1], [], []>, transpose_lhs_hint = false} : vector<16384x64xf32>, vector<64x128xf32>, vector<16384x128xf32> -> vector<16384x128xf32>
    %get3A_6 = arith.constant 0 : index
    %get3A_7 = arith.constant 0 : index
    %get3A_8 = vector.load %arg1[%get3A_6, %get3A_7] : memref<16384x64xf32, #tpu.memory_space<vmem>>, vector<16384x64xf32>
    %get3A_9 = arith.constant 0 : index
    %get3A_10 = arith.constant 0 : index
    %get3A_11 = vector.load %arg3[%get3A_9, %get3A_10] : memref<64x128xf32, #tpu.memory_space<vmem>>, vector<64x128xf32>
    %dot_general3A_12 = arith.constant dense<0.000000e+00> : vector<16384x128xf32>
    %dot_general3A_13 = tpu.matmul %get3A_8, %get3A_11, %dot_general3A_12 {dimension_numbers = #tpu.dot_dimension_numbers<[1], [0], [0], [1], [0, 0, 1, 1], [], []>, transpose_lhs_hint = false} : vector<16384x64xf32>, vector<64x128xf32>, vector<16384x128xf32> -> vector<16384x128xf32>
    %add3A = arith.addf %dot_general3A_5, %dot_general3A_13 : vector<16384x128xf32>
    %get3A_14 = arith.constant 0 : index
    %get3A_15 = arith.constant 0 : index
    %get3A_16 = vector.load %arg4[%get3A_14, %get3A_15] : memref<1x128xf32, #tpu.memory_space<vmem>>, vector<1x128xf32>
    %add3A_17 = vector.broadcast %get3A_16 : vector<1x128xf32> to vector<16384x128xf32>
    %add3A_18 = arith.addf %add3A, %add3A_17 : vector<16384x128xf32>
    %reduce_sum3A = arith.constant dense<0.000000e+00> : vector<128xf32>
    %reduce_sum3A_19 = vector.multi_reduction <add>, %add3A_18, %reduce_sum3A [0] : vector<16384x128xf32> to vector<128xf32>
    %broadcast_in_dim3A = vector.shape_cast %reduce_sum3A_19 : vector<128xf32> to vector<1x128xf32>
    %div3A = arith.constant 1.638400e+04 : f32
    %div3A_20 = vector.broadcast %div3A : f32 to vector<1x128xf32>
    %div3A_21 = arith.divf %broadcast_in_dim3A, %div3A_20 : vector<1x128xf32>
    %sub3A = vector.broadcast %div3A_21 : vector<1x128xf32> to vector<16384x128xf32>
    %sub3A_22 = arith.subf %add3A_18, %sub3A : vector<16384x128xf32>
    %square3A = arith.mulf %sub3A_22, %sub3A_22 : vector<16384x128xf32>
    %reduce_sum3A_23 = arith.constant dense<0.000000e+00> : vector<128xf32>
    %reduce_sum3A_24 = vector.multi_reduction <add>, %square3A, %reduce_sum3A_23 [0] : vector<16384x128xf32> to vector<128xf32>
    %broadcast_in_dim3A_25 = vector.shape_cast %reduce_sum3A_24 : vector<128xf32> to vector<1x128xf32>
    %div3A_26 = arith.constant 1.638400e+04 : f32
    %div3A_27 = vector.broadcast %div3A_26 : f32 to vector<1x128xf32>
    %div3A_28 = arith.divf %broadcast_in_dim3A_25, %div3A_27 : vector<1x128xf32>
    %sub3A_29 = vector.broadcast %div3A_21 : vector<1x128xf32> to vector<16384x128xf32>
    %sub3A_30 = arith.subf %add3A_18, %sub3A_29 : vector<16384x128xf32>
    %add3A_31 = arith.constant 9.99999974E-6 : f32
    %add3A_32 = vector.broadcast %add3A_31 : f32 to vector<1x128xf32>
    %add3A_33 = arith.addf %div3A_28, %add3A_32 : vector<1x128xf32>
    %rsqrt3A = math.rsqrt %add3A_33 : vector<1x128xf32>
    %mul3A = vector.broadcast %rsqrt3A : vector<1x128xf32> to vector<16384x128xf32>
    %mul3A_34 = arith.mulf %sub3A_30, %mul3A : vector<16384x128xf32>
    %get3A_35 = arith.constant 0 : index
    %get3A_36 = arith.constant 0 : index
    %get3A_37 = vector.load %arg5[%get3A_35, %get3A_36] : memref<1x128xf32, #tpu.memory_space<vmem>>, vector<1x128xf32>
    %mul3A_38 = vector.broadcast %get3A_37 : vector<1x128xf32> to vector<16384x128xf32>
    %mul3A_39 = arith.mulf %mul3A_34, %mul3A_38 : vector<16384x128xf32>
    %get3A_40 = arith.constant 0 : index
    %get3A_41 = arith.constant 0 : index
    %get3A_42 = vector.load %arg6[%get3A_40, %get3A_41] : memref<1x128xf32, #tpu.memory_space<vmem>>, vector<1x128xf32>
    %add3A_43 = vector.broadcast %get3A_42 : vector<1x128xf32> to vector<16384x128xf32>
    %add3A_44 = arith.addf %mul3A_39, %add3A_43 : vector<16384x128xf32>
    %max3A = arith.constant 0.000000e+00 : f32
    %max3A_45 = vector.broadcast %max3A : f32 to vector<16384x128xf32>
    %max3A_46 = arith.maximumf %add3A_44, %max3A_45 : vector<16384x128xf32>
    %get3A_47 = arith.constant 0 : index
    %get3A_48 = arith.constant 0 : index
    %get3A_49 = vector.load %arg7[%get3A_47, %get3A_48] : memref<128x64xf32, #tpu.memory_space<vmem>>, vector<128x64xf32>
    %dot_general3A_50 = arith.constant dense<0.000000e+00> : vector<16384x64xf32>
    %dot_general3A_51 = tpu.matmul %max3A_46, %get3A_49, %dot_general3A_50 {dimension_numbers = #tpu.dot_dimension_numbers<[1], [0], [0], [1], [0, 0, 1, 1], [], []>, transpose_lhs_hint = false} : vector<16384x128xf32>, vector<128x64xf32>, vector<16384x64xf32> -> vector<16384x64xf32>
    %get3A_52 = arith.constant 0 : index
    %get3A_53 = arith.constant 0 : index
    %get3A_54 = vector.load %arg8[%get3A_52, %get3A_53] : memref<1x64xf32, #tpu.memory_space<vmem>>, vector<1x64xf32>
    %add3A_55 = vector.broadcast %get3A_54 : vector<1x64xf32> to vector<16384x64xf32>
    %add3A_56 = arith.addf %dot_general3A_51, %add3A_55 : vector<16384x64xf32>
    %reduce_sum3A_57 = arith.constant dense<0.000000e+00> : vector<64xf32>
    %reduce_sum3A_58 = vector.multi_reduction <add>, %add3A_56, %reduce_sum3A_57 [0] : vector<16384x64xf32> to vector<64xf32>
    %broadcast_in_dim3A_59 = vector.shape_cast %reduce_sum3A_58 : vector<64xf32> to vector<1x64xf32>
    %div3A_60 = arith.constant 1.638400e+04 : f32
    %div3A_61 = vector.broadcast %div3A_60 : f32 to vector<1x64xf32>
    %div3A_62 = arith.divf %broadcast_in_dim3A_59, %div3A_61 : vector<1x64xf32>
    %sub3A_63 = vector.broadcast %div3A_62 : vector<1x64xf32> to vector<16384x64xf32>
    %sub3A_64 = arith.subf %add3A_56, %sub3A_63 : vector<16384x64xf32>
    %square3A_65 = arith.mulf %sub3A_64, %sub3A_64 : vector<16384x64xf32>
    %reduce_sum3A_66 = arith.constant dense<0.000000e+00> : vector<64xf32>
    %reduce_sum3A_67 = vector.multi_reduction <add>, %square3A_65, %reduce_sum3A_66 [0] : vector<16384x64xf32> to vector<64xf32>
    %broadcast_in_dim3A_68 = vector.shape_cast %reduce_sum3A_67 : vector<64xf32> to vector<1x64xf32>
    %div3A_69 = arith.constant 1.638400e+04 : f32
    %div3A_70 = vector.broadcast %div3A_69 : f32 to vector<1x64xf32>
    %div3A_71 = arith.divf %broadcast_in_dim3A_68, %div3A_70 : vector<1x64xf32>
    %sub3A_72 = vector.broadcast %div3A_62 : vector<1x64xf32> to vector<16384x64xf32>
    %sub3A_73 = arith.subf %add3A_56, %sub3A_72 : vector<16384x64xf32>
    %add3A_74 = arith.constant 9.99999974E-6 : f32
    %add3A_75 = vector.broadcast %add3A_74 : f32 to vector<1x64xf32>
    %add3A_76 = arith.addf %div3A_71, %add3A_75 : vector<1x64xf32>
    %rsqrt3A_77 = math.rsqrt %add3A_76 : vector<1x64xf32>
    %mul3A_78 = vector.broadcast %rsqrt3A_77 : vector<1x64xf32> to vector<16384x64xf32>
    %mul3A_79 = arith.mulf %sub3A_73, %mul3A_78 : vector<16384x64xf32>
    %get3A_80 = arith.constant 0 : index
    %get3A_81 = arith.constant 0 : index
    %get3A_82 = vector.load %arg9[%get3A_80, %get3A_81] : memref<1x64xf32, #tpu.memory_space<vmem>>, vector<1x64xf32>
    %mul3A_83 = vector.broadcast %get3A_82 : vector<1x64xf32> to vector<16384x64xf32>
    %mul3A_84 = arith.mulf %mul3A_79, %mul3A_83 : vector<16384x64xf32>
    %get3A_85 = arith.constant 0 : index
    %get3A_86 = arith.constant 0 : index
    %get3A_87 = vector.load %arg10[%get3A_85, %get3A_86] : memref<1x64xf32, #tpu.memory_space<vmem>>, vector<1x64xf32>
    %add3A_88 = vector.broadcast %get3A_87 : vector<1x64xf32> to vector<16384x64xf32>
    %add3A_89 = arith.addf %mul3A_84, %add3A_88 : vector<16384x64xf32>
    %max3A_90 = arith.constant 0.000000e+00 : f32
    %max3A_91 = vector.broadcast %max3A_90 : f32 to vector<16384x64xf32>
    %max3A_92 = arith.maximumf %add3A_89, %max3A_91 : vector<16384x64xf32>
    %get3A_93 = arith.constant 0 : index
    %get3A_94 = arith.constant 0 : index
    %get3A_95 = vector.load %arg11[%get3A_93, %get3A_94] : memref<1x64xf32, #tpu.memory_space<vmem>>, vector<1x64xf32>
    %mul3A_96 = vector.broadcast %get3A_95 : vector<1x64xf32> to vector<16384x64xf32>
    %mul3A_97 = arith.mulf %max3A_92, %mul3A_96 : vector<16384x64xf32>
    %reduce_sum3A_98 = arith.constant dense<0.000000e+00> : vector<16384xf32>
    %reduce_sum3A_99 = vector.multi_reduction <add>, %mul3A_97, %reduce_sum3A_98 [1] : vector<16384x64xf32> to vector<16384xf32>
    %get3A_100 = arith.constant 0 : index
    %get3A_101 = arith.constant 0 : index
    %get3A_102 = vector.load %arg12[%get3A_100, %get3A_101] : memref<1x1xf32, #tpu.memory_space<vmem>>, vector<1x1xf32>
    %get3A_103 = vector.extract %get3A_102[0, 0] : f32 from vector<1x1xf32>
    %add3A_104 = vector.broadcast %get3A_103 : f32 to vector<16384xf32>
    %add3A_105 = arith.addf %reduce_sum3A_99, %add3A_104 : vector<16384xf32>
    %logistic3A = arith.negf %add3A_105 : vector<16384xf32>
    %logistic3A_106 = math.exp %logistic3A : vector<16384xf32>
    %logistic3A_107 = arith.constant 1.000000e+00 : f32
    %logistic3A_108 = vector.broadcast %logistic3A_107 : f32 to vector<16384xf32>
    %logistic3A_109 = arith.addf %logistic3A_108, %logistic3A_106 : vector<16384xf32>
    %logistic3A_110 = arith.divf %logistic3A_108, %logistic3A_109 : vector<16384xf32>
    %swap3A = arith.constant 0 : index
    %swap3A_111 = vector.load %arg13[%swap3A] : memref<16384xf32, #tpu.memory_space<vmem>>, vector<16384xf32>
    tpu.vector_store %arg13[%swap3A], %logistic3A_110 {strides = array<i32>} : memref<16384xf32, #tpu.memory_space<vmem>>, vector<16384xf32>,
    return
  }
}

</mosaic_0001>

<sc_bundles>
// kernel: kernel.4.cloned.1.call-start
scs
__scs_entry_jumppad:
0x0: {  	(pc) =	sbr.rel $0x88, $3  }
0x1: {  	(tag) =	ssettag $0x0;
	lr =	simm.s32 $0x1  }
0x2: {  	[smem:$0x3F93] =	sst lr;
	_ =	strace $0xD0000000  }
0x3: {  	_ = 	snop  }
0x4: {  	_ = 	snop  }
0x5: {  	_ = 	snop  }
0x6: {  	_ = 	snop  }
0x7: {  	_ = 	snop  }
__scs_overlays_trampoline_lowered:
0x8: {  	[smem:$0x3FA2] =	sst s0  }
0x9: {  	[smem:$0x3FA3] =	sst s1  }
0xa: {  	[smem:$0x3FA4] =	sst s2  }
0xb: {  	[smem:$0x3FA5] =	sst s3  }
0xc: {  	[smem:$0x3FA6] =	sst s4  }
0xd: {  	[smem:$0x3FA7] =	sst s5  }
0xe: {  	[smem:$0x3FA8] =	sst s6  }
0xf: {  	[smem:$0x3FA9] =	sst s7  }
0x10: {  	[smem:$0x3FAA] =	sst s8  }
0x11: {  	[smem:$0x3FAB] =	sst s9;
	s0 =	simm.s32 @!p0 $0x0  }
0x12: {  	s1 =	sld [smem:$0x3F91];
	s0 =	simm.s32 @p0 $0x1  }
0x13: {  	[smem:$0x3FAC] =	sst s0;
	s0 =	simm.s32 @!p1 $0x0  }
0x14: {  	s2 =	sld [smem:$0x3F90];
	s0 =	simm.s32 @p1 $0x1  }
0x15: {  	[smem:$0x3FAD] =	sst s0;
	s0 =	simm.s32 @!p2 $0x0  }
0x16: {  	s3 =	sld [smem:$0x3FDB];
	s0 =	simm.s32 @p2 $0x1  }
0x17: {  	s4 =	simm.s32 $0x1BF5;
	[smem:$0x3FAF] =	sst s0  }
0x18: {  	s0 =	sld [smem:$0x3F92];
	_ =	swait.ge [sflag:s4], $0x0  }
0x19: {  	s7 =	sld [smem:$0x3F93]  }
0x1a: {  	s8 =	sadd.s32 $0xFFFFE003, lr  }
0x1b: {  	s9 =	sadd.s32 $0xFFFFFEF7, lr;
	s5 =	simm.s32 $0xFFFFFFFF;
	p2 =	slt.u32 s8, $0xFFFFF086  }
0x1c: {  	p1 =	slt.u32 s9, $0xF7A;
	s5 =	simm.s32 @!p2 $0x0  }
0x1d: {  	s5 =	simm.s32 @p1 $0x1;
	p0 =	seq.s32 s7, s2  }
0x1e: {  	s7 =	smul.u32 @!p0 $0xF7A, s2;
	p2 =	seq.s32 @!p0 s5, $0x0  }
0x1f: {  	s9 =	smul.u32 $0xF7A, s1;
	s8 =	simm.s32 @!p0 $0x1BF5;
	p2 =	por !p2, p0  }
0x20: {  	[sflag:s8] =	ssyncset.s32 @!p0 $0xFFFFF086;
	s6 =	sadd.s32 @!p0 s3, s7;
	s7 =	simm.s32 @!p0 $0x108  }
0x21: {  	s3 =	sadd.s32 s3, s9;
	s6 =	sadd.s32 @!p0 $0x88, s6;
	s7 =	simm.s32 @p2 $0x1082  }
0x22: {  	[simem:s7], [sflag:s8] =	dma.local @!p0 [hbm:s6], $0xF7A  }
0x23: {  	s9 =	sor.u32 $0xD0000000, s2;
	s6 =	simm.s32 $0x108;
	_ =	swait.ge @!p0 [sflag:s8], $0x0  }
0x24: {  	s3 =	sadd.s32 $0x88, s3;
	s6 =	simm.s32 @!p1 $0x1082;
	[sflag:s4] =	ssyncset.s32 $0xFFFFF086  }
0x25: {  	[simem:s6], [sflag:s4] =	dma.local [hbm:s3], $0xF7A  }
0x26: {  	[smem:$0x3F93] =	sst s1;
	(tag) =	ssettag s2;
	_ =	strace s9  }
0x27: {  	s1 =	sld [smem:$0x3FA3]  }
0x28: {  	s2 =	sld [smem:$0x3FA4]  }
0x29: {  	s4 =	sld [smem:$0x3FA6]  }
0x2a: {  	p0 =	seq.s32 s5, $0x0;
	s5 =	sld [smem:$0x3FA7]  }
0x2b: {  	s6 =	sld [smem:$0x3FA8]  }
0x2c: {  	s7 =	sld [smem:$0x3FA9]  }
0x2d: {  	s3 =	simm.s32 $0x108;
	s8 =	sld [smem:$0x3FAA]  }
0x2e: {  	s3 =	simm.s32 @!p0 $0x1082;
	s9 =	sld [smem:$0x3FAB]  }
0x2f: {  	lr =	sadd.s32 s0, s3;
	s0 =	sld [smem:$0x3FA2]  }
0x30: {  	s3 =	sld [smem:$0x3FA5]  }
0x31: {  	[smem:$0x3FAE] =	sst s10  }
0x32: {  	s10 =	sld [smem:$0x3FAC];
	_ =	sdelay $0x3  }
0x33: {  	p0 =	seq.s32 s10, $0x1;
	s10 =	sld [smem:$0x3FAE];
	_ =	sdelay $0x3  }
0x34: {  	[smem:$0x3FAE] =	sst s10  }
0x35: {  	s10 =	sld [smem:$0x3FAD];
	_ =	sdelay $0x3  }
0x36: {  	p1 =	seq.s32 s10, $0x1;
	s10 =	sld [smem:$0x3FAE];
	_ =	sdelay $0x3  }
0x37: {  	[smem:$0x3FAE] =	sst s10  }
0x38: {  	s10 =	sld [smem:$0x3FAF]  }
0x39: {  	_ = 	snop;
	(pc) =	sbr.ind lr, $3  }
0x3a: {  	_ = 	snop  }
0x3b: {  	_ = 	snop  }
0x3c: {  	p2 =	seq.s32 s10, $0x1;
	s10 =	sld [smem:$0x3FAE]  }
0x3d: {  	_ =	shalt  }
0x3e: {  	_ =	shalt  }
0x3f: {  	_ =	shalt  }
0x40: {  	_ =	shalt  }
0x41: {  	_ =	shalt  }
0x42: {  	_ =	shalt  }
0x43: {  	_ =	shalt  }
0x44: {  	_ =	shalt  }
0x45: {  	_ =	shalt  }
0x46: {  	_ =	shalt  }
0x47: {  	_ =	shalt  }
0x48: {  	_ =	shalt  }
0x49: {  	_ =	shalt  }
0x4a: {  	_ =	shalt  }
0x4b: {  	_ =	shalt  }
0x4c: {  	_ =	shalt  }
0x4d: {  	_ =	shalt  }
0x4e: {  	_ =	shalt  }
0x4f: {  	_ =	shalt  }
0x50: {  	_ =	shalt  }
0x51: {  	_ =	shalt  }
0x52: {  	_ =	shalt  }
0x53: {  	_ =	shalt  }
0x54: {  	_ =	shalt  }
0x55: {  	_ =	shalt  }
0x56: {  	_ =	shalt  }
0x57: {  	_ =	shalt  }
0x58: {  	_ =	shalt  }
0x59: {  	_ =	shalt  }
0x5a: {  	_ =	shalt  }
0x5b: {  	_ =	shalt  }
0x5c: {  	_ =	shalt  }
0x5d: {  	_ =	shalt  }
0x5e: {  	_ =	shalt  }
0x5f: {  	_ =	shalt  }
0x60: {  	_ =	shalt  }
0x61: {  	_ =	shalt  }
0x62: {  	_ =	shalt  }
0x63: {  	_ =	shalt  }
0x64: {  	_ =	shalt  }
0x65: {  	_ =	shalt  }
0x66: {  	_ =	shalt  }
0x67: {  	_ =	shalt  }
0x68: {  	_ =	shalt  }
0x69: {  	_ =	shalt  }
0x6a: {  	_ =	shalt  }
0x6b: {  	_ =	shalt  }
0x6c: {  	_ =	shalt  }
0x6d: {  	_ =	shalt  }
0x6e: {  	_ =	shalt  }
0x6f: {  	_ =	shalt  }
0x70: {  	_ =	shalt  }
0x71: {  	_ =	shalt  }
0x72: {  	_ =	shalt  }
0x73: {  	_ =	shalt  }
0x74: {  	_ =	shalt  }
0x75: {  	_ =	shalt  }
0x76: {  	_ =	shalt  }
0x77: {  	_ =	shalt  }
0x78: {  	_ =	shalt  }
0x79: {  	_ =	shalt  }
0x7a: {  	_ =	shalt  }
0x7b: {  	_ =	shalt  }
0x7c: {  	_ =	shalt  }
0x7d: {  	_ =	shalt  }
0x7e: {  	_ =	shalt  }
0x7f: {  	_ =	shalt  }
0x80: {  	_ =	shalt  }
0x81: {  	_ =	shalt  }
0x82: {  	_ =	shalt  }
0x83: {  	_ =	shalt  }
0x84: {  	_ =	shalt  }
0x85: {  	_ =	shalt  }
0x86: {  	_ =	shalt  }
0x87: {  	_ =	shalt  }
.Lfunc_end0:
.L_simem_size_0:
called_computation_lowered:
.L_overlay_start_0:
0x88: {  	s2 =	sld [smem:$0x3FD9]  }
0x89: {  	s3 =	sld [smem:$0x3FFE];
	_ =	sdelay $0x1  }
0x8a: {  	s1 =	srdreg.scid  }
0x8b: {  	s0 =	sand.u32 $0x1, s1  }
0x8c: {  	s17 =	sshll.u32 s0, $0xA;
	s2 =	sadd.s32 s3, s2  }
0x8d: {  	s2 =	sadd.s32 s2, s17  }
0x8e: {  	[smem:$0x3FBA] =	sst s2  }
0x8f: {  	_ = 	snop  }
0x90: {  	s2 =	sld [smem:$0x3FD0];
	(tm) =	ssettm $0x1  }
0x91: {  	s18 =	sld [smem:$0x3FFB];
	_ =	sdelay $0x3  }
0x92: {  	_ =	strace s18  }
0x93: {  	s3 =	sld [smem:$0x3FFC];
	_ =	sdelay $0x3  }
0x94: {  	_ =	strace s3  }
0x95: {  	s3 =	sld [smem:$0x3FFD];
	_ =	sdelay $0x3  }
0x96: {  	_ =	strace s3  }
0x97: {  	_ =	strace $0x8FFFFFFF  }
0x98: {  	s19 =	sld [smem:$0x3FDB];
	_ =	sdelay $0x1  }
0x99: {  	s4 =	simm.s32 $_scs_section_size  }
0x9a: {  	s5 =	simm.s32 $_size__tile_overlayer_lowered;
	s6 =	simm.s32 $_tile_overlayer_lowered  }
0x9b: {  	s22 =	simm.s32 $0x1BFF;
	s21 =	sshll.u32 s6, $0x1;
	s3 =	sadd.s32 s4, s19  }
0x9c: {  	s7 =	simm.s32 $0x0;
	s20 =	sshll.u32 s5, $0x1;
	s5 =	sadd.s32 s21, s3  }
0x9d: {  	[timem:s7], [sflag:s22] =	dma.local [hbm:s5], s20  }
0x9e: {  	_ =	swait.ge [sflag:s22], s20  }
0x9f: {  	s4 =	ssub.s32 $0x0, s20;
	[sflag:s22] =	ssyncset.done $0x0  }
0xa0: {  	[sflag:s22] =	ssyncadd.s32 s4;
	_ =	sdelay $0x1  }
0xa1: {  	s23 =	simm.s32 $0x1B8B  }
0xa2: {  	_ =	swait.ge [sflag:s23], $0x1  }
0xa3: {  	[sflag:s23] =	ssyncset.done $0x0  }
0xa4: {  	s25 =	simm.s32 $0x1B8E;
	s24 =	sld [smem:$0x3FFE];
	[sflag:s23] =	ssyncadd.s32 $0xFFFFFFFF  }
0xa5: {  	s26 =	simm.s32 $execute0_lowered;
	[smem:$0x3FD2] =	sst s25  }
0xa6: {  	s5 =	sshll.u32 s26, $0x1;
	_ =	strace $0x80000046;
	[dreg:$0x1] =	wrdreg $0xFFFFFFFF  }
0xa7: {  	s28 =	simm.s32 $_size_execute0_lowered;
	s3 =	sadd.s32 s3, s5;
	[dreg:$0x0] =	wrdreg $0x0  }
0xa8: {  	s5 =	sshll.u32 s28, $0x1;
	[dreg:$0x2] =	wrdreg s3  }
0xa9: {  	[dreg:$0x3] =	wrdreg s5  }
0xaa: {  	[dreg:$0x4] =	wrdreg $0xC0  }
0xab: {  	_ =	task [dreg:s7], $0x5FFFF  }
0xac: {  	[dreg:$0x1] =	wrdreg $0xFFFFFFFF  }
0xad: {  	[dreg:$0x0] =	wrdreg $0x60  }
0xae: {  	[dreg:$0x2] =	wrdreg s24  }
0xaf: {  	[dreg:$0x3] =	wrdreg s2  }
0xb0: {  	[dreg:$0x4] =	wrdreg $0x9  }
0xb1: {  	_ =	task.clear_ibuf [dreg:s7], $0x5FFFF;
	_ =	strace $0x90000046  }
0xb2: {  	s29 =	simm.s32 $0x9;
	_ =	strace $0x80000048  }
0xb3: {  	_ =	swait.ge [sflag:s29], $0x1  }
0xb4: {  	[sflag:s29] =	ssyncadd.s32 $0xFFFFFFFF  }
0xb5: {  	_ =	strace $0x90000048  }
0xb6: {  	_ =	sfence  }
0xb7: {  	s30 =	sld [smem:$0x0];
	_ =	sdelay $0x2  }
0xb8: {  	s31 =	sshll.u32 s1, $0xD;
	s1 =	sshrl.u32 s1, $0x2  }
0xb9: {  	s3 =	sand.u32 $0x4000, s31;
	s1 =	sadd.s32 s1, s30  }
0xba: {  	s0 =	sor.u32 s3, s0;
	s1 =	sshll.u32 s1, $0x11  }
0xbb: {  	s0 =	sor.u32 s1, s0  }
0xbc: {  	s0 =	sadd.s32 $0x8F2B, s0  }
0xbd: {  	[sflag:s0] =	ssyncadd.remote.s32 $0x1  }
0xbe: {  	_ =	sfence.sel $0xFFFF  }
0xbf: {  	[dreg:$0x0] =	wrdreg $0xFFFFFFFF;
	(pc) =	sbr.abs _section_cstart, $3  }
0xc0: {  	[dreg:$0x1] =	wrdreg $0xFFFFFFFF  }
0xc1: {  	_ =	task.clear_ibuf [dreg:s7], $0x2FFFF;
	_ =	strace $0x9FFFFFFF  }
0xc2: {  	(tm) =	ssettm $0x7FFFFFFF  }
0xc3: {  	_ =	shalt  }
tec
execute0_lowered:
.L_overlay_start_1:
0x0: {  	(tag) =	ssettag $0x1  }
0x1: {  	s0 =	rddreg [dreg:$0x0]  }
0x2: {  	s1 =	srdreg.scid;
	s4 =	stileid.u32  }
0x3: {  	s5 =	rddreg [dreg:$0x1];
	s2 =	simm.s32 $0x0;
	s1 =	sand.u32 $0x1, s1  }
0x4: {  	s3 =	sshll.u32 s4, $0x1;
	[smem:$0x7FF] =	sst s2;
	s4 =	sshll.u32 s4, $0x7  }
0x5: {  	s9 =	sadd.s32 $0x1E86200, s0;
	s6 =	sor.u32 s1, s3;
	_ =	strace $0x80000047  }
0x6: {  	s3 =	sadd.s32 $0x1200, s0;
	s1 =	ssub.s32 $0x2, s1;
	s7 =	sshll.u32 s6, $0x4  }
0x7: {  	s10 =	sshrl.u32 s1, $0x1;
	s6 =	sshll.u32 s6, $0xD;
	s7 =	sor.u32 s4, s7  }
0x8: {  	s4 =	sadd.s32 $0xF43600, s0;
	s28 =	sor.u32 $0x1000, s6;
	s29 =	sadd.s32 s9, s6  }
0x9: {  	s1 =	ssub.s32 s1, s10;
	[dreg:$0x17] =	wrdreg s29;
	s30 =	sadd.s32 s9, s28  }
0xa: {  	s7 =	sand.u32 $0x670, s7;
	s31 =	smax.u32 s1, $0x1;
	[dreg:$0x19] =	wrdreg s30  }
0xb: {  	s8 =	sadd.s32 s7, s0;
	s5 =	sadd.s32 s5, s7;
	[dreg:$0x1b] =	wrdreg s31  }
0xc: {  	s0 =	sadd.s32 $0x1EC6200, s0;
	[dreg:$0x15] =	wrdreg s5;
	s26 =	sadd.s32 $0x1E85A00, s8  }
0xd: {  	s6 =	sadd.s32 s0, s6;
	[dreg:$0x16] =	wrdreg s26  }
0xe: {  	s1 =	simm.s32 $0x0;
	s0 =	sadd.s32 s0, s28;
	[dreg:$0x18] =	wrdreg s6  }
0xf: {  	s7 =	simm.s32 $0x3;
	[dreg:$0x1a] =	wrdreg s0;
	s6 =	simm.s32 $0x400  }
.LBB2_1:
0x10: {  	[dreg:$0x1c] =	wrdreg s1  }
0x11: {  	s0 =	rddreg [dreg:$0x15];
	s5 =	simm.s32 $0x80  }
0x12: {  	[tilespmem:s2], [sflag:$0x3] =	stream.strided.gather [hbm4b:s0+s5], $0x200, s6, s5, $0x38;
	[tilespmem:$0x10400] =	vst v63  }
0x13: {  	_ =	swait.ge [sflag:s7], $0x200  }
0x14: {  	[sflag:s7] =	ssyncset.done $0x0  }
0x15: {  	s23 =	simm.s32 $0x200;
	s24 =	rddreg [dreg:$0x16];
	[sflag:s7] =	ssyncadd.s32 $0xFFFFFE00  }
0x16: {  	[tilespmem:s23], [sflag:$0x3] =	stream.strided.gather [hbm4b:s24+s5], $0x200, s6, s5, $0x38;
	[tilespmem:$0x10400] =	vst v63  }
0x17: {  	_ =	swait.ge [sflag:s7], $0x200  }
0x18: {  	[sflag:s7] =	ssyncset.done $0x0  }
0x19: {  	[sflag:s7] =	ssyncadd.s32 $0xFFFFFE00  }
0x1a: {  	v0 =	vld [tilespmem:s2+$0x0]  }
0x1b: {  	v2 =	vld [tilespmem:s23+$0x0];
	_ =	sdelay $0x3  }
0x1c: {  	v1 =	vshll.u32 v0, $0x4  }
0x1d: {  	v63 =	vshll.u32 v2, $0x4;
	(v2sf) =	vpush v1, $0x0  }
0x1e: {  	(v2sf) =	vpush v63, $0x0  }
0x1f: {  	(v2sf) =	vpush v1, $0x1;
	_ =	sdelay $0x2  }
0x20: {  	(v2sf) =	vpush v63, $0x1;
	_ =	sdelay $0x1  }
0x21: {  	(v2sf) =	vpush v1, $0x2;
	_ =	sdelay $0x1  }
0x22: {  	(v2sf) =	vpush v63, $0x2;
	_ =	sdelay $0x1  }
0x23: {  	s20 =	simm.s32 $0x2000;
	(v2sf) =	vpush v1, $0x3  }
0x24: {  	s19 =	simm.s32 $0x0;
	s25 =	simm.s32 $0x8400;
	s26 =	simm.s32 $0x400  }
0x25: {  	s9 =	simm.s32 $0x600;
	s10 =	simm.s32 $0x580;
	s15 =	simm.s32 $0x8480  }
0x26: {  	s17 =	simm.s32 $0x500;
	s22 =	simm.s32 $0x8500;
	s29 =	simm.s32 $0xA00  }
0x27: {  	s28 =	simm.s32 $0xB00;
	s0 =	simm.s32 $0x8900;
	s8 =	spop (v2sf);
	(v2sf) =	vpush v63, $0x3  }
0x28: {  	s5 =	simm.s32 $0x680;
	s8 =	sand.u32 $0x1FFFFFF0, s8;
	s11 =	spop (v2sf)  }
0x29: {  	s6 =	simm.s32 $0x880;
	s8 =	sadd.s32 s3, s8;
	s31 =	spop (v2sf)  }
0x2a: {  	(v2sf) =	vpush v1, $0x4;
	[tilespmem:s26], [sflag:$0x1] =	stream.linear.gather [hbm4b:s8+s2], $0x80, $0x38;
	[tilespmem:$0x10400] =	vst v63  }
0x2b: {  	s7 =	simm.s32 $0x8580;
	(v2sf) =	vpush v63, $0x4;
	s30 =	sand.u32 $0x1FFFFFF0, s11;
	s11 =	sand.u32 $0x1FFFFFF0, s31  }
0x2c: {  	s8 =	sadd.s32 s4, s30;
	s12 =	spop (v2sf);
	s13 =	sadd.s32 s3, s11  }
0x2d: {  	(v2sf) =	vpush v1, $0x5;
	[tilespmem:s25], [sflag:$0x2] =	stream.linear.gather [hbm4b:s8+s2], $0x80, $0x38;
	[tilespmem:$0x10400] =	vst v63  }
0x2e: {  	s14 =	sand.u32 $0x1FFFFFF0, s12;
	s16 =	spop (v2sf);
	s8 =	simm.s32 $0x480  }
0x2f: {  	(v2sf) =	vpush v63, $0x5;
	[tilespmem:s8], [sflag:$0x1] =	stream.linear.gather [hbm4b:s13+s2], $0x80, $0x38;
	[tilespmem:$0x10400] =	vst v63  }
0x30: {  	s11 =	sadd.s32 s4, s14;
	s18 =	spop (v2sf);
	s8 =	sand.u32 $0x1FFFFFF0, s16  }
0x31: {  	(v2sf) =	vpush v1, $0x6;
	[tilespmem:s15], [sflag:$0x2] =	stream.linear.gather [hbm4b:s11+s2], $0x80, $0x38;
	[tilespmem:$0x10400] =	vst v63  }
0x32: {  	s21 =	spop (v2sf);
	s8 =	sadd.s32 s3, s8;
	s11 =	sand.u32 $0x1FFFFFF0, s18  }
0x33: {  	(v2sf) =	vpush v63, $0x6;
	[tilespmem:s17], [sflag:$0x1] =	stream.linear.gather [hbm4b:s8+s2], $0x80, $0x38;
	[tilespmem:$0x10400] =	vst v63  }
0x34: {  	s26 =	simm.s32 $0x8600;
	s24 =	sand.u32 $0x1FFFFFF0, s21;
	s23 =	sadd.s32 s4, s11  }
0x35: {  	[tilespmem:s22], [sflag:$0x2] =	stream.linear.gather [hbm4b:s23+s2], $0x80, $0x38;
	[tilespmem:$0x10400] =	vst v63  }
0x36: {  	s12 =	simm.s32 $0x8A00;
	s11 =	sadd.s32 s3, s24;
	s25 =	spop (v2sf)  }
0x37: {  	(v2sf) =	vpush v1, $0x7;
	[tilespmem:s10], [sflag:$0x1] =	stream.linear.gather [hbm4b:s11+s2], $0x80, $0x38;
	[tilespmem:$0x10400] =	vst v63  }
0x38: {  	s13 =	simm.s32 $0xA80;
	s16 =	simm.s32 $0x8680;
	s8 =	sand.u32 $0x1FFFFFF0, s25  }
0x39: {  	s18 =	simm.s32 $0x700;
	s30 =	spop (v2sf);
	s8 =	sadd.s32 s4, s8  }
0x3a: {  	(v2sf) =	vpush v63, $0x7;
	s11 =	sand.u32 $0x1FFFFFF0, s30;
	s31 =	spop (v2sf);
	s30 =	simm.s32 $0x8700  }
0x3b: {  	(v2sf) =	vpush v1, $0x8;
	[tilespmem:s7], [sflag:$0x2] =	stream.linear.gather [hbm4b:s8+s2], $0x80, $0x38;
	[tilespmem:$0x10400] =	vst v63  }
0x3c: {  	s14 =	sadd.s32 s3, s11;
	s15 =	sand.u32 $0x1FFFFFF0, s31;
	s17 =	spop (v2sf)  }
0x3d: {  	(v2sf) =	vpush v63, $0x8;
	[tilespmem:s9], [sflag:$0x1] =	stream.linear.gather [hbm4b:s14+s2], $0x80, $0x38;
	[tilespmem:$0x10400] =	vst v63  }
0x3e: {  	s8 =	sadd.s32 s4, s15;
	s21 =	spop (v2sf);
	s9 =	sand.u32 $0x1FFFFFF0, s17  }
0x3f: {  	(v2sf) =	vpush v1, $0x9;
	[tilespmem:s26], [sflag:$0x2] =	stream.linear.gather [hbm4b:s8+s2], $0x80, $0x38;
	[tilespmem:$0x10400] =	vst v63  }
0x40: {  	s10 =	sand.u32 $0x1FFFFFF0, s21;
	s22 =	spop (v2sf);
	s9 =	sadd.s32 s3, s9  }
0x41: {  	(v2sf) =	vpush v63, $0x9;
	[tilespmem:s5], [sflag:$0x1] =	stream.linear.gather [hbm4b:s9+s2], $0x80, $0x38;
	[tilespmem:$0x10400] =	vst v63  }
0x42: {  	s23 =	sadd.s32 s4, s10;
	s24 =	sand.u32 $0x1FFFFFF0, s22;
	s25 =	spop (v2sf)  }
0x43: {  	(v2sf) =	vpush v1, $0xA;
	[tilespmem:s16], [sflag:$0x2] =	stream.linear.gather [hbm4b:s23+s2], $0x80, $0x38;
	[tilespmem:$0x10400] =	vst v63  }
0x44: {  	s14 =	simm.s32 $0x780;
	s26 =	sadd.s32 s3, s24;
	s7 =	sand.u32 $0x1FFFFFF0, s25  }
0x45: {  	(v2sf) =	vpush v63, $0xA;
	[tilespmem:s18], [sflag:$0x1] =	stream.linear.gather [hbm4b:s26+s2], $0x80, $0x38;
	[tilespmem:$0x10400] =	vst v63  }
0x46: {  	s17 =	simm.s32 $0x8780;
	s7 =	sadd.s32 s4, s7;
	s31 =	spop (v2sf)  }
0x47: {  	(v2sf) =	vpush v1, $0xB;
	[tilespmem:s30], [sflag:$0x2] =	stream.linear.gather [hbm4b:s7+s2], $0x80, $0x38;
	[tilespmem:$0x10400] =	vst v63  }
0x48: {  	s21 =	simm.s32 $0x800;
	s24 =	simm.s32 $0x8800;
	s9 =	sand.u32 $0x1FFFFFF0, s31  }
0x49: {  	s30 =	simm.s32 $0x8880;
	s1 =	spop (v2sf);
	(v2sf) =	vpush v63, $0xB;
	s15 =	sadd.s32 s3, s9  }
0x4a: {  	s16 =	sand.u32 $0x1FFFFFF0, s1;
	s18 =	spop (v2sf);
	s1 =	simm.s32 $0x900  }
0x4b: {  	[tilespmem:s14], [sflag:$0x1] =	stream.linear.gather [hbm4b:s15+s2], $0x80, $0x38;
	[tilespmem:$0x10400] =	vst v63  }
0x4c: {  	s9 =	sadd.s32 s4, s16;
	s8 =	sand.u32 $0x1FFFFFF0, s18;
	s22 =	spop (v2sf)  }
0x4d: {  	[tilespmem:s17], [sflag:$0x2] =	stream.linear.gather [hbm4b:s9+s2], $0x80, $0x38;
	[tilespmem:$0x10400] =	vst v63  }
0x4e: {  	(v2sf) =	vpush v1, $0xC;
	s8 =	sadd.s32 s3, s8;
	s23 =	spop (v2sf);
	s9 =	sand.u32 $0x1FFFFFF0, s22  }
0x4f: {  	[tilespmem:s21], [sflag:$0x1] =	stream.linear.gather [hbm4b:s8+s2], $0x80, $0x38;
	[tilespmem:$0x10400] =	vst v63  }
0x50: {  	(v2sf) =	vpush v63, $0xC;
	s26 =	sand.u32 $0x1FFFFFF0, s23;
	s31 =	spop (v2sf);
	s25 =	sadd.s32 s4, s9  }
0x51: {  	[tilespmem:s24], [sflag:$0x2] =	stream.linear.gather [hbm4b:s25+s2], $0x80, $0x38;
	[tilespmem:$0x10400] =	vst v63  }
0x52: {  	s9 =	sadd.s32 s3, s26;
	s14 =	spop (v2sf);
	s8 =	sand.u32 $0x1FFFFFF0, s31  }
0x53: {  	[tilespmem:s6], [sflag:$0x1] =	stream.linear.gather [hbm4b:s9+s2], $0x80, $0x38;
	[tilespmem:$0x10400] =	vst v63  }
0x54: {  	s15 =	spop (v2sf);
	s8 =	sadd.s32 s4, s8;
	s9 =	sand.u32 $0x1FFFFFF0, s14  }
0x55: {  	[tilespmem:s30], [sflag:$0x2] =	stream.linear.gather [hbm4b:s8+s2], $0x80, $0x38;
	[tilespmem:$0x10400] =	vst v63  }
0x56: {  	s17 =	sand.u32 $0x1FFFFFF0, s15;
	s16 =	sadd.s32 s3, s9;
	s18 =	spop (v2sf)  }
0x57: {  	[tilespmem:s1], [sflag:$0x1] =	stream.linear.gather [hbm4b:s16+s2], $0x80, $0x38;
	[tilespmem:$0x10400] =	vst v63  }
0x58: {  	s11 =	simm.s32 $0x8A80;
	s21 =	sadd.s32 s4, s17;
	s23 =	spop (v2sf)  }
0x59: {  	[tilespmem:s0], [sflag:$0x2] =	stream.linear.gather [hbm4b:s21+s2], $0x80, $0x38;
	[tilespmem:$0x10400] =	vst v63  }
0x5a: {  	s5 =	simm.s32 $0x8980;
	(v2sf) =	vpush v1, $0xD;
	s22 =	sand.u32 $0x1FFFFFF0, s18;
	s26 =	sand.u32 $0x1FFFFFF0, s23  }
0x5b: {  	s24 =	simm.s32 $0x980;
	(v2sf) =	vpush v63, $0xD;
	s25 =	sadd.s32 s3, s22;
	s30 =	sadd.s32 s4, s26  }
0x5c: {  	(v2sf) =	vpush v1, $0xE;
	[tilespmem:s24], [sflag:$0x1] =	stream.linear.gather [hbm4b:s25+s2], $0x80, $0x38;
	[tilespmem:$0x10400] =	vst v63  }
0x5d: {  	(v2sf) =	vpush v63, $0xE;
	s31 =	spop (v2sf);
	s26 =	simm.s32 $0x8B00;
	s24 =	simm.s32 $0x10  }
0x5e: {  	(v2sf) =	vpush v1, $0xF;
	[tilespmem:s5], [sflag:$0x2] =	stream.linear.gather [hbm4b:s30+s2], $0x80, $0x38;
	[tilespmem:$0x10400] =	vst v63  }
0x5f: {  	s25 =	simm.s32 $0x210;
	s0 =	sand.u32 $0x1FFFFFF0, s31;
	(v2sf) =	vpush v63, $0xF;
	s5 =	spop (v2sf)  }
.LBB2_2:
0x60: {  	_ =	sdelay $0x4  }
0x61: {  	s0 =	sadd.s32 s3, s0;
	s5 =	sand.u32 $0x1FFFFFF0, s5  }
0x62: {  	[tilespmem:s29], [sflag:$0x1] =	stream.linear.gather [hbm4b:s0+s2], $0x80, $0x38;
	[tilespmem:$0x10400] =	vst v63  }
0x63: {  	s7 =	sadd.s32 s4, s5  }
0x64: {  	[tilespmem:s12], [sflag:$0x2] =	stream.linear.gather [hbm4b:s7+s2], $0x80, $0x38;
	[tilespmem:$0x10400] =	vst v63  }
0x65: {  	s6 =	spop (v2sf)  }
0x66: {  	s8 =	sand.u32 $0x1FFFFFF0, s6;
	s9 =	spop (v2sf)  }
0x67: {  	s10 =	sadd.s32 s3, s8;
	s1 =	sand.u32 $0x1FFFFFF0, s9;
	s12 =	spop (v2sf)  }
0x68: {  	[tilespmem:s13], [sflag:$0x1] =	stream.linear.gather [hbm4b:s10+s2], $0x80, $0x38;
	[tilespmem:$0x10400] =	vst v63  }
0x69: {  	s14 =	sadd.s32 s4, s1;
	s15 =	sand.u32 $0x1FFFFFF0, s12;
	s16 =	spop (v2sf)  }
0x6a: {  	[tilespmem:s11], [sflag:$0x2] =	stream.linear.gather [hbm4b:s14+s2], $0x80, $0x38;
	[tilespmem:$0x10400] =	vst v63  }
0x6b: {  	s17 =	sadd.s32 s3, s15;
	s18 =	sand.u32 $0x1FFFFFF0, s16;
	s21 =	spop (v2sf)  }
0x6c: {  	[tilespmem:s28], [sflag:$0x1] =	stream.linear.gather [hbm4b:s17+s2], $0x80, $0x38;
	[tilespmem:$0x10400] =	vst v63  }
0x6d: {  	s22 =	sadd.s32 s4, s18;
	s23 =	sand.u32 $0x1FFFFFF0, s21;
	s30 =	spop (v2sf)  }
0x6e: {  	[tilespmem:s26], [sflag:$0x2] =	stream.linear.gather [hbm4b:s22+s2], $0x80, $0x38;
	[tilespmem:$0x10400] =	vst v63  }
0x6f: {  	s31 =	sadd.s32 $0xB80, s19;
	s1 =	sadd.s32 s3, s23;
	s5 =	sand.u32 $0x1FFFFFF0, s30  }
0x70: {  	[tilespmem:s31], [sflag:$0x1] =	stream.linear.gather [hbm4b:s1+s2], $0x80, $0x38;
	[tilespmem:$0x10400] =	vst v63  }
0x71: {  	s5 =	sadd.s32 s4, s5;
	s1 =	sadd.s32 $0x8B80, s19  }
0x72: {  	[tilespmem:s1], [sflag:$0x2] =	stream.linear.gather [hbm4b:s5+s2], $0x80, $0x38;
	[tilespmem:$0x10400] =	vst v63  }
0x73: {  	v0 =	vld [tilespmem:s24+$0x0];
	_ =	sdelay $0x1  }
0x74: {  	v2 =	vld [tilespmem:s25+$0x0];
	_ =	sdelay $0x2  }
0x75: {  	v1 =	vshll.u32 v0, $0x4  }
0x76: {  	(v2sf) =	vpush v1, $0x0  }
0x77: {  	v63 =	vshll.u32 v2, $0x4  }
0x78: {  	s6 =	smov.u32 s20;
	(v2sf) =	vpush v63, $0x0  }
0x79: {  	p0 =	sne.s32 s20, $0x1E000;
	s19 =	sshra.s32 s6, $0x2;
	(v2sf) =	vpush v1, $0x1  }
0x7a: {  	s20 =	sadd.s32 $0x2000, s20;
	s31 =	sadd.s32 $0x8400, s19;
	s0 =	sadd.s32 $0x680, s19  }
0x7b: {  	s7 =	sadd.s32 $0x880, s19;
	s15 =	sadd.s32 $0x600, s19;
	s8 =	sadd.s32 $0x8900, s19;
	(v2sf) =	vpush v63, $0x1  }
0x7c: {  	s14 =	sadd.s32 $0x580, s19;
	s18 =	sadd.s32 $0x8580, s19;
	s21 =	sadd.s32 $0x500, s19  }
0x7d: {  	s16 =	sadd.s32 $0x8600, s19;
	s30 =	sadd.s32 $0x8480, s19;
	s13 =	sadd.s32 $0x8680, s19;
	(v2sf) =	vpush v1, $0x2  }
0x7e: {  	s6 =	sadd.s32 $0x700, s19;
	s11 =	sadd.s32 $0x8A80, s19;
	s10 =	sadd.s32 $0x8700, s19;
	(v2sf) =	vpush v63, $0x2  }
0x7f: {  	s9 =	sadd.s32 $0x8880, s19;
	s12 =	sadd.s32 $0x900, s19;
	[dreg:$0x13] =	wrdreg s0  }
0x80: {  	s17 =	sadd.s32 $0x8800, s19;
	s29 =	sadd.s32 $0xA00, s19;
	[dreg:$0x7] =	wrdreg s7;
	(v2sf) =	vpush v1, $0x3  }
0x81: {  	s28 =	sadd.s32 $0xB00, s19;
	s26 =	sadd.s32 $0x8B00, s19;
	[dreg:$0x3] =	wrdreg s8  }
0x82: {  	s1 =	sadd.s32 $0x400, s19;
	s7 =	sadd.s32 $0x8A00, s19;
	[dreg:$0xb] =	wrdreg s9  }
0x83: {  	s5 =	sadd.s32 $0xA80, s19;
	s0 =	sadd.s32 $0x8500, s19;
	[dreg:$0x9] =	wrdreg s12  }
0x84: {  	s8 =	sadd.s32 $0x8980, s19;
	s9 =	sadd.s32 $0x780, s19;
	[dreg:$0xf] =	wrdreg s17;
	(v2sf) =	vpush v63, $0x3  }
0x85: {  	s17 =	sadd.s32 $0x800, s19;
	[dreg:$0x5] =	wrdreg s8;
	s22 =	spop (v2sf)  }
0x86: {  	[dreg:$0x11] =	wrdreg s17;
	(v2sf) =	vpush v1, $0x4;
	s17 =	sand.u32 $0x1FFFFFF0, s22;
	s22 =	sadd.s32 $0x980, s19  }
0x87: {  	s12 =	sadd.s32 $0x480, s19;
	s23 =	spop (v2sf);
	[dreg:$0xd] =	wrdreg s22  }
0x88: {  	(v2sf) =	vpush v63, $0x4;
	s17 =	sadd.s32 s3, s17;
	s22 =	sand.u32 $0x1FFFFFF0, s23;
	s23 =	spop (v2sf)  }
0x89: {  	[tilespmem:s1], [sflag:$0x1] =	stream.linear.gather [hbm4b:s17+s2], $0x80, $0x38;
	[tilespmem:$0x10400] =	vst v63  }
0x8a: {  	(v2sf) =	vpush v1, $0x5;
	s17 =	sadd.s32 s4, s22;
	s22 =	sand.u32 $0x1FFFFFF0, s23;
	s23 =	spop (v2sf)  }
0x8b: {  	[tilespmem:s31], [sflag:$0x2] =	stream.linear.gather [hbm4b:s17+s2], $0x80, $0x38;
	[tilespmem:$0x10400] =	vst v63  }
0x8c: {  	s8 =	sadd.s32 $0x8780, s19;
	s24 =	sadd.s32 $0x10, s24;
	(v2sf) =	vpush v63, $0x5;
	s31 =	spop (v2sf)  }
0x8d: {  	s23 =	sand.u32 $0x1FFFFFF0, s23;
	s17 =	sadd.s32 s3, s22;
	(v2sf) =	vpush v1, $0x6;
	s22 =	spop (v2sf)  }
0x8e: {  	[tilespmem:s12], [sflag:$0x1] =	stream.linear.gather [hbm4b:s17+s2], $0x80, $0x38;
	[tilespmem:$0x10400] =	vst v63  }
0x8f: {  	(v2sf) =	vpush v63, $0x6;
	s12 =	sadd.s32 s4, s23;
	s17 =	sand.u32 $0x1FFFFFF0, s31;
	s31 =	spop (v2sf)  }
0x90: {  	(v2sf) =	vpush v1, $0x7;
	[tilespmem:s30], [sflag:$0x2] =	stream.linear.gather [hbm4b:s12+s2], $0x80, $0x38;
	[tilespmem:$0x10400] =	vst v63  }
0x91: {  	s25 =	sadd.s32 $0x10, s25;
	s23 =	sadd.s32 s3, s17;
	s30 =	sand.u32 $0x1FFFFFF0, s22  }
0x92: {  	[tilespmem:s21], [sflag:$0x1] =	stream.linear.gather [hbm4b:s23+s2], $0x80, $0x38;
	[tilespmem:$0x10400] =	vst v63  }
0x93: {  	s22 =	spop (v2sf);
	s12 =	sadd.s32 s4, s30;
	s21 =	sand.u32 $0x1FFFFFF0, s31  }
0x94: {  	(v2sf) =	vpush v63, $0x7;
	[tilespmem:s0], [sflag:$0x2] =	stream.linear.gather [hbm4b:s12+s2], $0x80, $0x38;
	[tilespmem:$0x10400] =	vst v63  }
0x95: {  	s30 =	sand.u32 $0x1FFFFFF0, s22;
	s31 =	spop (v2sf);
	s23 =	sadd.s32 s3, s21  }
0x96: {  	(v2sf) =	vpush v1, $0x8;
	[tilespmem:s14], [sflag:$0x1] =	stream.linear.gather [hbm4b:s23+s2], $0x80, $0x38;
	[tilespmem:$0x10400] =	vst v63  }
0x97: {  	s17 =	sadd.s32 s4, s30;
	s21 =	sand.u32 $0x1FFFFFF0, s31;
	s22 =	spop (v2sf)  }
0x98: {  	[tilespmem:s18], [sflag:$0x2] =	stream.linear.gather [hbm4b:s17+s2], $0x80, $0x38;
	[tilespmem:$0x10400] =	vst v63  }
0x99: {  	s12 =	smov.u32 s7;
	s23 =	sadd.s32 s3, s21;
	s31 =	spop (v2sf)  }
0x9a: {  	(v2sf) =	vpush v63, $0x8;
	[tilespmem:s15], [sflag:$0x1] =	stream.linear.gather [hbm4b:s23+s2], $0x80, $0x38;
	[tilespmem:$0x10400] =	vst v63  }
0x9b: {  	s30 =	sand.u32 $0x1FFFFFF0, s22;
	s22 =	rddreg [dreg:$0x13];
	s15 =	spop (v2sf)  }
0x9c: {  	(v2sf) =	vpush v1, $0x9;
	s1 =	sadd.s32 s4, s30;
	s14 =	sand.u32 $0x1FFFFFF0, s31;
	s21 =	spop (v2sf)  }
0x9d: {  	(v2sf) =	vpush v63, $0x9;
	[tilespmem:s16], [sflag:$0x2] =	stream.linear.gather [hbm4b:s1+s2], $0x80, $0x38;
	[tilespmem:$0x10400] =	vst v63  }
0x9e: {  	s17 =	sadd.s32 s3, s14;
	s18 =	sand.u32 $0x1FFFFFF0, s15;
	s31 =	spop (v2sf)  }
0x9f: {  	s23 =	sadd.s32 s4, s18;
	s14 =	sand.u32 $0x1FFFFFF0, s31;
	s15 =	spop (v2sf)  }
0xa0: {  	[tilespmem:s22], [sflag:$0x1] =	stream.linear.gather [hbm4b:s17+s2], $0x80, $0x38;
	[tilespmem:$0x10400] =	vst v63  }
0xa1: {  	(v2sf) =	vpush v1, $0xA;
	s30 =	sand.u32 $0x1FFFFFF0, s21;
	s16 =	sadd.s32 s4, s14;
	s17 =	sand.u32 $0x1FFFFFF0, s15  }
0xa2: {  	[tilespmem:s13], [sflag:$0x2] =	stream.linear.gather [hbm4b:s23+s2], $0x80, $0x38;
	[tilespmem:$0x10400] =	vst v63  }
0xa3: {  	(v2sf) =	vpush v63, $0xA;
	s18 =	spop (v2sf);
	s13 =	smov.u32 s5;
	s5 =	sadd.s32 s3, s30  }
0xa4: {  	[tilespmem:s6], [sflag:$0x1] =	stream.linear.gather [hbm4b:s5+s2], $0x80, $0x38;
	[tilespmem:$0x10400] =	vst v63  }
0xa5: {  	s21 =	sadd.s32 s3, s17;
	s22 =	sand.u32 $0x1FFFFFF0, s18;
	s23 =	spop (v2sf)  }
0xa6: {  	[tilespmem:s10], [sflag:$0x2] =	stream.linear.gather [hbm4b:s16+s2], $0x80, $0x38;
	[tilespmem:$0x10400] =	vst v63  }
0xa7: {  	(v2sf) =	vpush v1, $0xB;
	s30 =	sadd.s32 s4, s22;
	s22 =	rddreg [dreg:$0x7];
	s31 =	sand.u32 $0x1FFFFFF0, s23  }
0xa8: {  	[tilespmem:s9], [sflag:$0x1] =	stream.linear.gather [hbm4b:s21+s2], $0x80, $0x38;
	[tilespmem:$0x10400] =	vst v63  }
0xa9: {  	(v2sf) =	vpush v63, $0xB;
	s6 =	sadd.s32 s3, s31;
	s16 =	rddreg [dreg:$0xf];
	s5 =	spop (v2sf)  }
0xaa: {  	(v2sf) =	vpush v1, $0xC;
	[tilespmem:s8], [sflag:$0x2] =	stream.linear.gather [hbm4b:s30+s2], $0x80, $0x38;
	[tilespmem:$0x10400] =	vst v63  }
0xab: {  	s9 =	rddreg [dreg:$0x11];
	s7 =	sand.u32 $0x1FFFFFF0, s5;
	s8 =	spop (v2sf)  }
0xac: {  	(v2sf) =	vpush v63, $0xC;
	s10 =	sadd.s32 s4, s7;
	s14 =	sand.u32 $0x1FFFFFF0, s8;
	s15 =	spop (v2sf)  }
0xad: {  	[tilespmem:s9], [sflag:$0x1] =	stream.linear.gather [hbm4b:s6+s2], $0x80, $0x38;
	[tilespmem:$0x10400] =	vst v63  }
0xae: {  	s7 =	rddreg [dreg:$0xb];
	s17 =	sadd.s32 s3, s14;
	s18 =	sand.u32 $0x1FFFFFF0, s15  }
0xaf: {  	[tilespmem:s16], [sflag:$0x2] =	stream.linear.gather [hbm4b:s10+s2], $0x80, $0x38;
	[tilespmem:$0x10400] =	vst v63  }
0xb0: {  	s21 =	spop (v2sf);
	s14 =	rddreg [dreg:$0x9];
	s23 =	sadd.s32 s4, s18  }
0xb1: {  	[tilespmem:s22], [sflag:$0x1] =	stream.linear.gather [hbm4b:s17+s2], $0x80, $0x38;
	[tilespmem:$0x10400] =	vst v63  }
0xb2: {  	s30 =	sand.u32 $0x1FFFFFF0, s21;
	s31 =	spop (v2sf);
	s18 =	rddreg [dreg:$0x3]  }
0xb3: {  	[tilespmem:s7], [sflag:$0x2] =	stream.linear.gather [hbm4b:s23+s2], $0x80, $0x38;
	[tilespmem:$0x10400] =	vst v63  }
0xb4: {  	s8 =	sadd.s32 s3, s30;
	s9 =	sand.u32 $0x1FFFFFF0, s31;
	s30 =	rddreg [dreg:$0xd]  }
0xb5: {  	[tilespmem:s14], [sflag:$0x1] =	stream.linear.gather [hbm4b:s8+s2], $0x80, $0x38;
	[tilespmem:$0x10400] =	vst v63  }
0xb6: {  	s10 =	spop (v2sf);
	s31 =	rddreg [dreg:$0x5];
	s15 =	sadd.s32 s4, s9  }
0xb7: {  	(v2sf) =	vpush v1, $0xD;
	[tilespmem:s18], [sflag:$0x2] =	stream.linear.gather [hbm4b:s15+s2], $0x80, $0x38;
	[tilespmem:$0x10400] =	vst v63  }
.Ltmp0:
0xb8: {  	(v2sf) =	vpush v63, $0xD;
	s16 =	sand.u32 $0x1FFFFFF0, s10;
	s17 =	spop (v2sf);
	(pc) =	sbr.rel @p0 .LBB2_2-.Ltmp0, $4  }
0xb9: {  	(v2sf) =	vpush v1, $0xE;
	s21 =	sadd.s32 s3, s16;
	s22 =	sand.u32 $0x1FFFFFF0, s17;
	s23 =	spop (v2sf)  }
0xba: {  	(v2sf) =	vpush v63, $0xE;
	[tilespmem:s30], [sflag:$0x1] =	stream.linear.gather [hbm4b:s21+s2], $0x80, $0x38;
	[tilespmem:$0x10400] =	vst v63  }
0xbb: {  	(v2sf) =	vpush v1, $0xF;
	s1 =	sadd.s32 s4, s22;
	s0 =	sand.u32 $0x1FFFFFF0, s23;
	s5 =	spop (v2sf)  }
0xbc: {  	(v2sf) =	vpush v63, $0xF;
	[tilespmem:s31], [sflag:$0x2] =	stream.linear.gather [hbm4b:s1+s2], $0x80, $0x38;
	[tilespmem:$0x10400] =	vst v63  }
0xbd: {  	_ =	sdelay $0x4  }
0xbe: {  	s0 =	sadd.s32 s3, s0;
	s1 =	sand.u32 $0x1FFFFFF0, s5  }
0xbf: {  	[tilespmem:s29], [sflag:$0x1] =	stream.linear.gather [hbm4b:s0+s2], $0x80, $0x38;
	[tilespmem:$0x10400] =	vst v63  }
0xc0: {  	s18 =	sadd.s32 s4, s1  }
0xc1: {  	[tilespmem:s12], [sflag:$0x2] =	stream.linear.gather [hbm4b:s18+s2], $0x80, $0x38;
	[tilespmem:$0x10400] =	vst v63  }
0xc2: {  	s17 =	spop (v2sf)  }
0xc3: {  	s20 =	sand.u32 $0x1FFFFFF0, s17;
	s21 =	spop (v2sf)  }
0xc4: {  	s22 =	sadd.s32 s3, s20;
	s23 =	sand.u32 $0x1FFFFFF0, s21;
	s24 =	spop (v2sf)  }
0xc5: {  	[tilespmem:s13], [sflag:$0x1] =	stream.linear.gather [hbm4b:s22+s2], $0x80, $0x38;
	[tilespmem:$0x10400] =	vst v63  }
0xc6: {  	s25 =	sadd.s32 s4, s23;
	s30 =	sand.u32 $0x1FFFFFF0, s24;
	s31 =	spop (v2sf)  }
0xc7: {  	[tilespmem:s11], [sflag:$0x2] =	stream.linear.gather [hbm4b:s25+s2], $0x80, $0x38;
	[tilespmem:$0x10400] =	vst v63  }
0xc8: {  	s6 =	sadd.s32 s3, s30;
	s7 =	sand.u32 $0x1FFFFFF0, s31;
	s8 =	spop (v2sf)  }
0xc9: {  	[tilespmem:s28], [sflag:$0x1] =	stream.linear.gather [hbm4b:s6+s2], $0x80, $0x38;
	[tilespmem:$0x10400] =	vst v63  }
0xca: {  	s9 =	sadd.s32 s4, s7;
	s10 =	sand.u32 $0x1FFFFFF0, s8;
	s11 =	spop (v2sf)  }
0xcb: {  	[tilespmem:s26], [sflag:$0x2] =	stream.linear.gather [hbm4b:s9+s2], $0x80, $0x38;
	[tilespmem:$0x10400] =	vst v63  }
0xcc: {  	s12 =	sadd.s32 $0xB80, s19;
	s1 =	sadd.s32 s3, s10;
	s5 =	sand.u32 $0x1FFFFFF0, s11  }
0xcd: {  	[tilespmem:s12], [sflag:$0x1] =	stream.linear.gather [hbm4b:s1+s2], $0x80, $0x38;
	[tilespmem:$0x10400] =	vst v63  }
0xce: {  	s15 =	simm.s32 $0x1;
	s13 =	sadd.s32 $0x8B80, s19;
	s14 =	sadd.s32 s4, s5  }
0xcf: {  	[tilespmem:s13], [sflag:$0x2] =	stream.linear.gather [hbm4b:s14+s2], $0x80, $0x38;
	[tilespmem:$0x10400] =	vst v63  }
0xd0: {  	_ =	swait.ge [sflag:s15], $0x8000  }
0xd1: {  	[sflag:s15] =	ssyncset.done $0x0  }
0xd2: {  	s16 =	simm.s32 $0x2;
	[sflag:s15] =	ssyncadd.s32 $0xFFFF8000  }
0xd3: {  	_ =	swait.ge [sflag:s16], $0x8000  }
0xd4: {  	s17 =	simm.s32 $0x0;
	s20 =	simm.s32 $0x3;
	[sflag:s16] =	ssyncset.done $0x0  }
0xd5: {  	s19 =	simm.s32 $0x400;
	s18 =	rddreg [dreg:$0x17];
	[sflag:s16] =	ssyncadd.s32 $0xFFFF8000  }
0xd6: {  	[hbm4b:s18+s17] =	stream.linear.scatter [tilespmem:s19], [sflag:$0x3], $0x8000, $0x38;
	[tilespmem:$0x10400] =	vst v63  }
0xd7: {  	_ =	swait.ge [sflag:s20], $0x8000  }
0xd8: {  	[sflag:s20] =	ssyncset.done $0x0  }
0xd9: {  	s6 =	simm.s32 $0x8400;
	s21 =	rddreg [dreg:$0x18];
	[sflag:s20] =	ssyncadd.s32 $0xFFFF8000  }
0xda: {  	[hbm4b:s21+s17] =	stream.linear.scatter [tilespmem:s6], [sflag:$0x3], $0x8000, $0x38;
	[tilespmem:$0x10400] =	vst v63  }
0xdb: {  	_ =	swait.ge [sflag:s20], $0x8000  }
0xdc: {  	[sflag:s20] =	ssyncset.done $0x0  }
0xdd: {  	s22 =	simm.s32 $0x100;
	[sflag:s20] =	ssyncadd.s32 $0xFFFF8000  }
0xde: {  	v0 =	vld [tilespmem:s22+$0x0]  }
0xdf: {  	s23 =	simm.s32 $0x300  }
0xe0: {  	v2 =	vld [tilespmem:s23+$0x0];
	_ =	sdelay $0x2  }
0xe1: {  	v1 =	vshll.u32 v0, $0x4  }
0xe2: {  	(v2sf) =	vpush v1, $0x0  }
0xe3: {  	v63 =	vshll.u32 v2, $0x4  }
0xe4: {  	(v2sf) =	vpush v63, $0x0;
	_ =	sdelay $0x1  }
0xe5: {  	(v2sf) =	vpush v1, $0x1  }
0xe6: {  	(v2sf) =	vpush v63, $0x1  }
0xe7: {  	(v2sf) =	vpush v1, $0x2;
	_ =	sdelay $0x1  }
0xe8: {  	(v2sf) =	vpush v63, $0x2;
	_ =	sdelay $0x1  }
0xe9: {  	(v2sf) =	vpush v1, $0x3  }
0xea: {  	s0 =	simm.s32 $0x8900  }
0xeb: {  	s29 =	simm.s32 $0xA00;
	s24 =	simm.s32 $0x8400;
	s7 =	simm.s32 $0x400  }
0xec: {  	s10 =	simm.s32 $0x580;
	s5 =	simm.s32 $0x680;
	s28 =	simm.s32 $0xB00  }
0xed: {  	s9 =	simm.s32 $0x600;
	s12 =	simm.s32 $0x8A00;
	s15 =	simm.s32 $0x8480;
	(v2sf) =	vpush v63, $0x3  }
0xee: {  	s19 =	simm.s32 $0x0;
	s6 =	simm.s32 $0x880;
	s8 =	spop (v2sf)  }
0xef: {  	s17 =	simm.s32 $0x500;
	s20 =	simm.s32 $0x2000;
	s8 =	sand.u32 $0x1FFFFFF0, s8  }
0xf0: {  	s22 =	simm.s32 $0x8500;
	s25 =	spop (v2sf);
	s8 =	sadd.s32 s3, s8  }
0xf1: {  	(v2sf) =	vpush v1, $0x4;
	[tilespmem:s7], [sflag:$0x1] =	stream.linear.gather [hbm4b:s8+s2], $0x80, $0x38;
	[tilespmem:$0x10400] =	vst v63  }
0xf2: {  	(v2sf) =	vpush v63, $0x4;
	s26 =	sand.u32 $0x1FFFFFF0, s25;
	s30 =	spop (v2sf);
	s7 =	simm.s32 $0x8580  }
0xf3: {  	s8 =	sadd.s32 s4, s26;
	s11 =	sand.u32 $0x1FFFFFF0, s30;
	s31 =	spop (v2sf)  }
0xf4: {  	(v2sf) =	vpush v1, $0x5;
	s26 =	simm.s32 $0x8600;
	s13 =	sadd.s32 s3, s11;
	s16 =	spop (v2sf)  }
0xf5: {  	[tilespmem:s24], [sflag:$0x2] =	stream.linear.gather [hbm4b:s8+s2], $0x80, $0x38;
	[tilespmem:$0x10400] =	vst v63  }
0xf6: {  	s14 =	sand.u32 $0x1FFFFFF0, s31;
	s8 =	simm.s32 $0x480;
	s18 =	spop (v2sf)  }
0xf7: {  	(v2sf) =	vpush v63, $0x5;
	[tilespmem:s8], [sflag:$0x1] =	stream.linear.gather [hbm4b:s13+s2], $0x80, $0x38;
	[tilespmem:$0x10400] =	vst v63  }
0xf8: {  	s11 =	sadd.s32 s4, s14;
	(v2sf) =	vpush v1, $0x6;
	s21 =	spop (v2sf);
	s8 =	sand.u32 $0x1FFFFFF0, s16  }
0xf9: {  	[tilespmem:s15], [sflag:$0x2] =	stream.linear.gather [hbm4b:s11+s2], $0x80, $0x38;
	[tilespmem:$0x10400] =	vst v63  }
0xfa: {  	(v2sf) =	vpush v63, $0x6;
	s24 =	sand.u32 $0x1FFFFFF0, s21;
	s8 =	sadd.s32 s3, s8;
	s11 =	sand.u32 $0x1FFFFFF0, s18  }
0xfb: {  	[tilespmem:s17], [sflag:$0x1] =	stream.linear.gather [hbm4b:s8+s2], $0x80, $0x38;
	[tilespmem:$0x10400] =	vst v63  }
0xfc: {  	s25 =	spop (v2sf);
	s13 =	simm.s32 $0xA80;
	s23 =	sadd.s32 s4, s11  }
0xfd: {  	[tilespmem:s22], [sflag:$0x2] =	stream.linear.gather [hbm4b:s23+s2], $0x80, $0x38;
	[tilespmem:$0x10400] =	vst v63  }
0xfe: {  	(v2sf) =	vpush v1, $0x7;
	s16 =	simm.s32 $0x8680;
	s11 =	sadd.s32 s3, s24;
	s8 =	sand.u32 $0x1FFFFFF0, s25  }
0xff: {  	[tilespmem:s10], [sflag:$0x1] =	stream.linear.gather [hbm4b:s11+s2], $0x80, $0x38;
	[tilespmem:$0x10400] =	vst v63  }
0x100: {  	(v2sf) =	vpush v63, $0x7;
	s18 =	simm.s32 $0x700;
	s8 =	sadd.s32 s4, s8;
	s30 =	spop (v2sf)  }
0x101: {  	s11 =	sand.u32 $0x1FFFFFF0, s30;
	s31 =	spop (v2sf);
	s30 =	simm.s32 $0x8700  }
0x102: {  	(v2sf) =	vpush v1, $0x8;
	[tilespmem:s7], [sflag:$0x2] =	stream.linear.gather [hbm4b:s8+s2], $0x80, $0x38;
	[tilespmem:$0x10400] =	vst v63  }
0x103: {  	s14 =	sadd.s32 s3, s11;
	s15 =	sand.u32 $0x1FFFFFF0, s31;
	s17 =	spop (v2sf)  }
0x104: {  	(v2sf) =	vpush v63, $0x8;
	[tilespmem:s9], [sflag:$0x1] =	stream.linear.gather [hbm4b:s14+s2], $0x80, $0x38;
	[tilespmem:$0x10400] =	vst v63  }
0x105: {  	s11 =	simm.s32 $0x8A80;
	s8 =	sadd.s32 s4, s15;
	s9 =	sand.u32 $0x1FFFFFF0, s17  }
0x106: {  	(v2sf) =	vpush v1, $0x9;
	s21 =	spop (v2sf);
	s14 =	simm.s32 $0x780;
	s17 =	simm.s32 $0x8780  }
0x107: {  	(v2sf) =	vpush v63, $0x9;
	s9 =	sadd.s32 s3, s9;
	s10 =	sand.u32 $0x1FFFFFF0, s21;
	s22 =	spop (v2sf)  }
0x108: {  	[tilespmem:s26], [sflag:$0x2] =	stream.linear.gather [hbm4b:s8+s2], $0x80, $0x38;
	[tilespmem:$0x10400] =	vst v63  }
0x109: {  	(v2sf) =	vpush v1, $0xA;
	s21 =	simm.s32 $0x800;
	s24 =	sand.u32 $0x1FFFFFF0, s22;
	s25 =	spop (v2sf)  }
0x10a: {  	[tilespmem:s5], [sflag:$0x1] =	stream.linear.gather [hbm4b:s9+s2], $0x80, $0x38;
	[tilespmem:$0x10400] =	vst v63  }
0x10b: {  	s23 =	sadd.s32 s4, s10;
	(v2sf) =	vpush v63, $0xA;
	s26 =	sadd.s32 s3, s24;
	s7 =	sand.u32 $0x1FFFFFF0, s25  }
0x10c: {  	[tilespmem:s16], [sflag:$0x2] =	stream.linear.gather [hbm4b:s23+s2], $0x80, $0x38;
	[tilespmem:$0x10400] =	vst v63  }
0x10d: {  	s31 =	spop (v2sf);
	(v2sf) =	vpush v1, $0xB;
	s24 =	simm.s32 $0x8800;
	s5 =	simm.s32 $0x8980  }
0x10e: {  	[tilespmem:s18], [sflag:$0x1] =	stream.linear.gather [hbm4b:s26+s2], $0x80, $0x38;
	[tilespmem:$0x10400] =	vst v63  }
0x10f: {  	s7 =	sadd.s32 s4, s7;
	s9 =	sand.u32 $0x1FFFFFF0, s31;
	s1 =	spop (v2sf);
	(v2sf) =	vpush v63, $0xB  }
0x110: {  	[tilespmem:s30], [sflag:$0x2] =	stream.linear.gather [hbm4b:s7+s2], $0x80, $0x38;
	[tilespmem:$0x10400] =	vst v63  }
0x111: {  	s15 =	sadd.s32 s3, s9;
	s16 =	sand.u32 $0x1FFFFFF0, s1;
	s18 =	spop (v2sf)  }
0x112: {  	[tilespmem:s14], [sflag:$0x1] =	stream.linear.gather [hbm4b:s15+s2], $0x80, $0x38;
	[tilespmem:$0x10400] =	vst v63  }
0x113: {  	s1 =	simm.s32 $0x900;
	s9 =	sadd.s32 s4, s16;
	s22 =	spop (v2sf)  }
0x114: {  	[tilespmem:s17], [sflag:$0x2] =	stream.linear.gather [hbm4b:s9+s2], $0x80, $0x38;
	[tilespmem:$0x10400] =	vst v63  }
0x115: {  	s30 =	simm.s32 $0x8880;
	s8 =	sand.u32 $0x1FFFFFF0, s18;
	(v2sf) =	vpush v1, $0xC;
	s23 =	spop (v2sf)  }
0x116: {  	s8 =	sadd.s32 s3, s8;
	s9 =	sand.u32 $0x1FFFFFF0, s22;
	s31 =	spop (v2sf)  }
0x117: {  	(v2sf) =	vpush v63, $0xC;
	[tilespmem:s21], [sflag:$0x1] =	stream.linear.gather [hbm4b:s8+s2], $0x80, $0x38;
	[tilespmem:$0x10400] =	vst v63  }
0x118: {  	s25 =	sadd.s32 s4, s9;
	s26 =	sand.u32 $0x1FFFFFF0, s23;
	s14 =	spop (v2sf)  }
0x119: {  	[tilespmem:s24], [sflag:$0x2] =	stream.linear.gather [hbm4b:s25+s2], $0x80, $0x38;
	[tilespmem:$0x10400] =	vst v63  }
0x11a: {  	s9 =	sadd.s32 s3, s26;
	s8 =	sand.u32 $0x1FFFFFF0, s31;
	s15 =	spop (v2sf)  }
0x11b: {  	[tilespmem:s6], [sflag:$0x1] =	stream.linear.gather [hbm4b:s9+s2], $0x80, $0x38;
	[tilespmem:$0x10400] =	vst v63  }
0x11c: {  	s8 =	sadd.s32 s4, s8;
	s18 =	spop (v2sf);
	s9 =	sand.u32 $0x1FFFFFF0, s14  }
0x11d: {  	[tilespmem:s30], [sflag:$0x2] =	stream.linear.gather [hbm4b:s8+s2], $0x80, $0x38;
	[tilespmem:$0x10400] =	vst v63  }
0x11e: {  	s17 =	sand.u32 $0x1FFFFFF0, s15;
	s23 =	spop (v2sf);
	s16 =	sadd.s32 s3, s9  }
0x11f: {  	[tilespmem:s1], [sflag:$0x1] =	stream.linear.gather [hbm4b:s16+s2], $0x80, $0x38;
	[tilespmem:$0x10400] =	vst v63  }
0x120: {  	s21 =	sadd.s32 s4, s17;
	s22 =	sand.u32 $0x1FFFFFF0, s18;
	s26 =	sand.u32 $0x1FFFFFF0, s23  }
0x121: {  	(v2sf) =	vpush v1, $0xD;
	[tilespmem:s0], [sflag:$0x2] =	stream.linear.gather [hbm4b:s21+s2], $0x80, $0x38;
	[tilespmem:$0x10400] =	vst v63  }
0x122: {  	s24 =	simm.s32 $0x980;
	(v2sf) =	vpush v63, $0xD;
	s25 =	sadd.s32 s3, s22;
	s30 =	sadd.s32 s4, s26  }
0x123: {  	(v2sf) =	vpush v1, $0xE;
	[tilespmem:s24], [sflag:$0x1] =	stream.linear.gather [hbm4b:s25+s2], $0x80, $0x38;
	[tilespmem:$0x10400] =	vst v63  }
0x124: {  	(v2sf) =	vpush v63, $0xE;
	s26 =	simm.s32 $0x8B00;
	s31 =	spop (v2sf);
	s24 =	simm.s32 $0x110  }
0x125: {  	(v2sf) =	vpush v1, $0xF;
	[tilespmem:s5], [sflag:$0x2] =	stream.linear.gather [hbm4b:s30+s2], $0x80, $0x38;
	[tilespmem:$0x10400] =	vst v63  }
0x126: {  	(v2sf) =	vpush v63, $0xF;
	s25 =	simm.s32 $0x310;
	s0 =	sand.u32 $0x1FFFFFF0, s31;
	s5 =	spop (v2sf)  }
.LBB2_4:
0x127: {  	_ =	sdelay $0x4  }
0x128: {  	s0 =	sadd.s32 s3, s0;
	s5 =	sand.u32 $0x1FFFFFF0, s5  }
0x129: {  	[tilespmem:s29], [sflag:$0x1] =	stream.linear.gather [hbm4b:s0+s2], $0x80, $0x38;
	[tilespmem:$0x10400] =	vst v63  }
0x12a: {  	s7 =	sadd.s32 s4, s5  }
0x12b: {  	[tilespmem:s12], [sflag:$0x2] =	stream.linear.gather [hbm4b:s7+s2], $0x80, $0x38;
	[tilespmem:$0x10400] =	vst v63  }
0x12c: {  	s6 =	spop (v2sf)  }
0x12d: {  	s8 =	sand.u32 $0x1FFFFFF0, s6;
	s9 =	spop (v2sf)  }
0x12e: {  	s10 =	sadd.s32 s3, s8;
	s1 =	sand.u32 $0x1FFFFFF0, s9;
	s12 =	spop (v2sf)  }
0x12f: {  	[tilespmem:s13], [sflag:$0x1] =	stream.linear.gather [hbm4b:s10+s2], $0x80, $0x38;
	[tilespmem:$0x10400] =	vst v63  }
0x130: {  	s14 =	sadd.s32 s4, s1;
	s15 =	sand.u32 $0x1FFFFFF0, s12;
	s16 =	spop (v2sf)  }
0x131: {  	[tilespmem:s11], [sflag:$0x2] =	stream.linear.gather [hbm4b:s14+s2], $0x80, $0x38;
	[tilespmem:$0x10400] =	vst v63  }
0x132: {  	s17 =	sadd.s32 s3, s15;
	s18 =	sand.u32 $0x1FFFFFF0, s16;
	s21 =	spop (v2sf)  }
0x133: {  	[tilespmem:s28], [sflag:$0x1] =	stream.linear.gather [hbm4b:s17+s2], $0x80, $0x38;
	[tilespmem:$0x10400] =	vst v63  }
0x134: {  	s22 =	sadd.s32 s4, s18;
	s23 =	sand.u32 $0x1FFFFFF0, s21;
	s30 =	spop (v2sf)  }
0x135: {  	[tilespmem:s26], [sflag:$0x2] =	stream.linear.gather [hbm4b:s22+s2], $0x80, $0x38;
	[tilespmem:$0x10400] =	vst v63  }
0x136: {  	s31 =	sadd.s32 $0xB80, s19;
	s1 =	sadd.s32 s3, s23;
	s5 =	sand.u32 $0x1FFFFFF0, s30  }
0x137: {  	[tilespmem:s31], [sflag:$0x1] =	stream.linear.gather [hbm4b:s1+s2], $0x80, $0x38;
	[tilespmem:$0x10400] =	vst v63  }
0x138: {  	s5 =	sadd.s32 s4, s5;
	s1 =	sadd.s32 $0x8B80, s19  }
0x139: {  	[tilespmem:s1], [sflag:$0x2] =	stream.linear.gather [hbm4b:s5+s2], $0x80, $0x38;
	[tilespmem:$0x10400] =	vst v63  }
0x13a: {  	v0 =	vld [tilespmem:s24+$0x0];
	_ =	sdelay $0x1  }
0x13b: {  	v2 =	vld [tilespmem:s25+$0x0];
	_ =	sdelay $0x2  }
0x13c: {  	v1 =	vshll.u32 v0, $0x4  }
0x13d: {  	(v2sf) =	vpush v1, $0x0  }
0x13e: {  	v63 =	vshll.u32 v2, $0x4  }
0x13f: {  	s6 =	smov.u32 s20;
	(v2sf) =	vpush v63, $0x0  }
0x140: {  	p0 =	sne.s32 s20, $0x1E000;
	s19 =	sshra.s32 s6, $0x2;
	(v2sf) =	vpush v1, $0x1  }
0x141: {  	s20 =	sadd.s32 $0x2000, s20;
	s31 =	sadd.s32 $0x8400, s19;
	s0 =	sadd.s32 $0x680, s19  }
0x142: {  	s7 =	sadd.s32 $0x880, s19;
	s15 =	sadd.s32 $0x600, s19;
	s8 =	sadd.s32 $0x8900, s19;
	(v2sf) =	vpush v63, $0x1  }
0x143: {  	s14 =	sadd.s32 $0x580, s19;
	s18 =	sadd.s32 $0x8580, s19;
	s21 =	sadd.s32 $0x500, s19  }
0x144: {  	s16 =	sadd.s32 $0x8600, s19;
	s30 =	sadd.s32 $0x8480, s19;
	s13 =	sadd.s32 $0x8680, s19;
	(v2sf) =	vpush v1, $0x2  }
0x145: {  	s6 =	sadd.s32 $0x700, s19;
	s11 =	sadd.s32 $0x8A80, s19;
	s10 =	sadd.s32 $0x8700, s19;
	(v2sf) =	vpush v63, $0x2  }
0x146: {  	s9 =	sadd.s32 $0x8880, s19;
	s12 =	sadd.s32 $0x900, s19;
	[dreg:$0x14] =	wrdreg s0  }
0x147: {  	s17 =	sadd.s32 $0x8800, s19;
	s29 =	sadd.s32 $0xA00, s19;
	[dreg:$0x8] =	wrdreg s7;
	(v2sf) =	vpush v1, $0x3  }
0x148: {  	s28 =	sadd.s32 $0xB00, s19;
	s26 =	sadd.s32 $0x8B00, s19;
	[dreg:$0x4] =	wrdreg s8  }
0x149: {  	s1 =	sadd.s32 $0x400, s19;
	s7 =	sadd.s32 $0x8A00, s19;
	[dreg:$0xc] =	wrdreg s9  }
0x14a: {  	s5 =	sadd.s32 $0xA80, s19;
	s0 =	sadd.s32 $0x8500, s19;
	[dreg:$0xa] =	wrdreg s12  }
0x14b: {  	s8 =	sadd.s32 $0x8980, s19;
	s9 =	sadd.s32 $0x780, s19;
	[dreg:$0x10] =	wrdreg s17;
	(v2sf) =	vpush v63, $0x3  }
0x14c: {  	s17 =	sadd.s32 $0x800, s19;
	[dreg:$0x6] =	wrdreg s8;
	s22 =	spop (v2sf)  }
0x14d: {  	[dreg:$0x12] =	wrdreg s17;
	(v2sf) =	vpush v1, $0x4;
	s17 =	sand.u32 $0x1FFFFFF0, s22;
	s22 =	sadd.s32 $0x980, s19  }
0x14e: {  	s12 =	sadd.s32 $0x480, s19;
	s23 =	spop (v2sf);
	[dreg:$0xe] =	wrdreg s22  }
0x14f: {  	(v2sf) =	vpush v63, $0x4;
	s17 =	sadd.s32 s3, s17;
	s22 =	sand.u32 $0x1FFFFFF0, s23;
	s23 =	spop (v2sf)  }
0x150: {  	[tilespmem:s1], [sflag:$0x1] =	stream.linear.gather [hbm4b:s17+s2], $0x80, $0x38;
	[tilespmem:$0x10400] =	vst v63  }
0x151: {  	(v2sf) =	vpush v1, $0x5;
	s17 =	sadd.s32 s4, s22;
	s22 =	sand.u32 $0x1FFFFFF0, s23;
	s23 =	spop (v2sf)  }
0x152: {  	[tilespmem:s31], [sflag:$0x2] =	stream.linear.gather [hbm4b:s17+s2], $0x80, $0x38;
	[tilespmem:$0x10400] =	vst v63  }
0x153: {  	s8 =	sadd.s32 $0x8780, s19;
	s24 =	sadd.s32 $0x10, s24;
	(v2sf) =	vpush v63, $0x5;
	s31 =	spop (v2sf)  }
0x154: {  	s23 =	sand.u32 $0x1FFFFFF0, s23;
	s17 =	sadd.s32 s3, s22;
	(v2sf) =	vpush v1, $0x6;
	s22 =	spop (v2sf)  }
0x155: {  	[tilespmem:s12], [sflag:$0x1] =	stream.linear.gather [hbm4b:s17+s2], $0x80, $0x38;
	[tilespmem:$0x10400] =	vst v63  }
0x156: {  	(v2sf) =	vpush v63, $0x6;
	s12 =	sadd.s32 s4, s23;
	s17 =	sand.u32 $0x1FFFFFF0, s31;
	s31 =	spop (v2sf)  }
0x157: {  	(v2sf) =	vpush v1, $0x7;
	[tilespmem:s30], [sflag:$0x2] =	stream.linear.gather [hbm4b:s12+s2], $0x80, $0x38;
	[tilespmem:$0x10400] =	vst v63  }
0x158: {  	s25 =	sadd.s32 $0x10, s25;
	s23 =	sadd.s32 s3, s17;
	s30 =	sand.u32 $0x1FFFFFF0, s22  }
0x159: {  	[tilespmem:s21], [sflag:$0x1] =	stream.linear.gather [hbm4b:s23+s2], $0x80, $0x38;
	[tilespmem:$0x10400] =	vst v63  }
0x15a: {  	s22 =	spop (v2sf);
	s12 =	sadd.s32 s4, s30;
	s21 =	sand.u32 $0x1FFFFFF0, s31  }
0x15b: {  	(v2sf) =	vpush v63, $0x7;
	[tilespmem:s0], [sflag:$0x2] =	stream.linear.gather [hbm4b:s12+s2], $0x80, $0x38;
	[tilespmem:$0x10400] =	vst v63  }
0x15c: {  	s30 =	sand.u32 $0x1FFFFFF0, s22;
	s31 =	spop (v2sf);
	s23 =	sadd.s32 s3, s21  }
0x15d: {  	(v2sf) =	vpush v1, $0x8;
	[tilespmem:s14], [sflag:$0x1] =	stream.linear.gather [hbm4b:s23+s2], $0x80, $0x38;
	[tilespmem:$0x10400] =	vst v63  }
0x15e: {  	s17 =	sadd.s32 s4, s30;
	s21 =	sand.u32 $0x1FFFFFF0, s31;
	s22 =	spop (v2sf)  }
0x15f: {  	[tilespmem:s18], [sflag:$0x2] =	stream.linear.gather [hbm4b:s17+s2], $0x80, $0x38;
	[tilespmem:$0x10400] =	vst v63  }
0x160: {  	s12 =	smov.u32 s7;
	s23 =	sadd.s32 s3, s21;
	s31 =	spop (v2sf)  }
0x161: {  	(v2sf) =	vpush v63, $0x8;
	[tilespmem:s15], [sflag:$0x1] =	stream.linear.gather [hbm4b:s23+s2], $0x80, $0x38;
	[tilespmem:$0x10400] =	vst v63  }
0x162: {  	s30 =	sand.u32 $0x1FFFFFF0, s22;
	s22 =	rddreg [dreg:$0x14];
	s15 =	spop (v2sf)  }
0x163: {  	(v2sf) =	vpush v1, $0x9;
	s1 =	sadd.s32 s4, s30;
	s14 =	sand.u32 $0x1FFFFFF0, s31;
	s21 =	spop (v2sf)  }
0x164: {  	(v2sf) =	vpush v63, $0x9;
	[tilespmem:s16], [sflag:$0x2] =	stream.linear.gather [hbm4b:s1+s2], $0x80, $0x38;
	[tilespmem:$0x10400] =	vst v63  }
0x165: {  	s17 =	sadd.s32 s3, s14;
	s18 =	sand.u32 $0x1FFFFFF0, s15;
	s31 =	spop (v2sf)  }
0x166: {  	s23 =	sadd.s32 s4, s18;
	s14 =	sand.u32 $0x1FFFFFF0, s31;
	s15 =	spop (v2sf)  }
0x167: {  	[tilespmem:s22], [sflag:$0x1] =	stream.linear.gather [hbm4b:s17+s2], $0x80, $0x38;
	[tilespmem:$0x10400] =	vst v63  }
0x168: {  	(v2sf) =	vpush v1, $0xA;
	s30 =	sand.u32 $0x1FFFFFF0, s21;
	s16 =	sadd.s32 s4, s14;
	s17 =	sand.u32 $0x1FFFFFF0, s15  }
0x169: {  	[tilespmem:s13], [sflag:$0x2] =	stream.linear.gather [hbm4b:s23+s2], $0x80, $0x38;
	[tilespmem:$0x10400] =	vst v63  }
0x16a: {  	(v2sf) =	vpush v63, $0xA;
	s18 =	spop (v2sf);
	s13 =	smov.u32 s5;
	s5 =	sadd.s32 s3, s30  }
0x16b: {  	[tilespmem:s6], [sflag:$0x1] =	stream.linear.gather [hbm4b:s5+s2], $0x80, $0x38;
	[tilespmem:$0x10400] =	vst v63  }
0x16c: {  	s21 =	sadd.s32 s3, s17;
	s22 =	sand.u32 $0x1FFFFFF0, s18;
	s23 =	spop (v2sf)  }
0x16d: {  	[tilespmem:s10], [sflag:$0x2] =	stream.linear.gather [hbm4b:s16+s2], $0x80, $0x38;
	[tilespmem:$0x10400] =	vst v63  }
0x16e: {  	(v2sf) =	vpush v1, $0xB;
	s30 =	sadd.s32 s4, s22;
	s22 =	rddreg [dreg:$0x8];
	s31 =	sand.u32 $0x1FFFFFF0, s23  }
0x16f: {  	[tilespmem:s9], [sflag:$0x1] =	stream.linear.gather [hbm4b:s21+s2], $0x80, $0x38;
	[tilespmem:$0x10400] =	vst v63  }
0x170: {  	(v2sf) =	vpush v63, $0xB;
	s6 =	sadd.s32 s3, s31;
	s16 =	rddreg [dreg:$0x10];
	s5 =	spop (v2sf)  }
0x171: {  	(v2sf) =	vpush v1, $0xC;
	[tilespmem:s8], [sflag:$0x2] =	stream.linear.gather [hbm4b:s30+s2], $0x80, $0x38;
	[tilespmem:$0x10400] =	vst v63  }
0x172: {  	s9 =	rddreg [dreg:$0x12];
	s7 =	sand.u32 $0x1FFFFFF0, s5;
	s8 =	spop (v2sf)  }
0x173: {  	(v2sf) =	vpush v63, $0xC;
	s10 =	sadd.s32 s4, s7;
	s14 =	sand.u32 $0x1FFFFFF0, s8;
	s15 =	spop (v2sf)  }
0x174: {  	[tilespmem:s9], [sflag:$0x1] =	stream.linear.gather [hbm4b:s6+s2], $0x80, $0x38;
	[tilespmem:$0x10400] =	vst v63  }
0x175: {  	s7 =	rddreg [dreg:$0xc];
	s17 =	sadd.s32 s3, s14;
	s18 =	sand.u32 $0x1FFFFFF0, s15  }
0x176: {  	[tilespmem:s16], [sflag:$0x2] =	stream.linear.gather [hbm4b:s10+s2], $0x80, $0x38;
	[tilespmem:$0x10400] =	vst v63  }
0x177: {  	s21 =	spop (v2sf);
	s14 =	rddreg [dreg:$0xa];
	s23 =	sadd.s32 s4, s18  }
0x178: {  	[tilespmem:s22], [sflag:$0x1] =	stream.linear.gather [hbm4b:s17+s2], $0x80, $0x38;
	[tilespmem:$0x10400] =	vst v63  }
0x179: {  	s30 =	sand.u32 $0x1FFFFFF0, s21;
	s31 =	spop (v2sf);
	s18 =	rddreg [dreg:$0x4]  }
0x17a: {  	[tilespmem:s7], [sflag:$0x2] =	stream.linear.gather [hbm4b:s23+s2], $0x80, $0x38;
	[tilespmem:$0x10400] =	vst v63  }
0x17b: {  	s8 =	sadd.s32 s3, s30;
	s9 =	sand.u32 $0x1FFFFFF0, s31;
	s30 =	rddreg [dreg:$0xe]  }
0x17c: {  	[tilespmem:s14], [sflag:$0x1] =	stream.linear.gather [hbm4b:s8+s2], $0x80, $0x38;
	[tilespmem:$0x10400] =	vst v63  }
0x17d: {  	s10 =	spop (v2sf);
	s31 =	rddreg [dreg:$0x6];
	s15 =	sadd.s32 s4, s9  }
0x17e: {  	(v2sf) =	vpush v1, $0xD;
	[tilespmem:s18], [sflag:$0x2] =	stream.linear.gather [hbm4b:s15+s2], $0x80, $0x38;
	[tilespmem:$0x10400] =	vst v63  }
.Ltmp1:
0x17f: {  	(v2sf) =	vpush v63, $0xD;
	s16 =	sand.u32 $0x1FFFFFF0, s10;
	s17 =	spop (v2sf);
	(pc) =	sbr.rel @p0 .LBB2_4-.Ltmp1, $4  }
0x180: {  	(v2sf) =	vpush v1, $0xE;
	s21 =	sadd.s32 s3, s16;
	s22 =	sand.u32 $0x1FFFFFF0, s17;
	s23 =	spop (v2sf)  }
0x181: {  	(v2sf) =	vpush v63, $0xE;
	[tilespmem:s30], [sflag:$0x1] =	stream.linear.gather [hbm4b:s21+s2], $0x80, $0x38;
	[tilespmem:$0x10400] =	vst v63  }
0x182: {  	(v2sf) =	vpush v1, $0xF;
	s1 =	sadd.s32 s4, s22;
	s0 =	sand.u32 $0x1FFFFFF0, s23;
	s5 =	spop (v2sf)  }
0x183: {  	(v2sf) =	vpush v63, $0xF;
	[tilespmem:s31], [sflag:$0x2] =	stream.linear.gather [hbm4b:s1+s2], $0x80, $0x38;
	[tilespmem:$0x10400] =	vst v63  }
0x184: {  	_ =	sdelay $0x4  }
0x185: {  	s0 =	sadd.s32 s3, s0;
	s1 =	sand.u32 $0x1FFFFFF0, s5  }
0x186: {  	[tilespmem:s29], [sflag:$0x1] =	stream.linear.gather [hbm4b:s0+s2], $0x80, $0x38;
	[tilespmem:$0x10400] =	vst v63  }
0x187: {  	s1 =	sadd.s32 s4, s1  }
0x188: {  	[tilespmem:s12], [sflag:$0x2] =	stream.linear.gather [hbm4b:s1+s2], $0x80, $0x38;
	[tilespmem:$0x10400] =	vst v63  }
0x189: {  	s31 =	spop (v2sf)  }
0x18a: {  	s5 =	sand.u32 $0x1FFFFFF0, s31;
	s6 =	spop (v2sf)  }
0x18b: {  	s7 =	sadd.s32 s3, s5;
	s8 =	sand.u32 $0x1FFFFFF0, s6;
	s9 =	spop (v2sf)  }
0x18c: {  	[tilespmem:s13], [sflag:$0x1] =	stream.linear.gather [hbm4b:s7+s2], $0x80, $0x38;
	[tilespmem:$0x10400] =	vst v63  }
0x18d: {  	s10 =	sadd.s32 s4, s8;
	s12 =	sand.u32 $0x1FFFFFF0, s9;
	s13 =	spop (v2sf)  }
0x18e: {  	[tilespmem:s11], [sflag:$0x2] =	stream.linear.gather [hbm4b:s10+s2], $0x80, $0x38;
	[tilespmem:$0x10400] =	vst v63  }
0x18f: {  	s14 =	sadd.s32 s3, s12;
	s15 =	sand.u32 $0x1FFFFFF0, s13;
	s16 =	spop (v2sf)  }
0x190: {  	[tilespmem:s28], [sflag:$0x1] =	stream.linear.gather [hbm4b:s14+s2], $0x80, $0x38;
	[tilespmem:$0x10400] =	vst v63  }
0x191: {  	s17 =	sadd.s32 s4, s15;
	s18 =	sand.u32 $0x1FFFFFF0, s16;
	s20 =	spop (v2sf)  }
0x192: {  	[tilespmem:s26], [sflag:$0x2] =	stream.linear.gather [hbm4b:s17+s2], $0x80, $0x38;
	[tilespmem:$0x10400] =	vst v63  }
0x193: {  	s21 =	sadd.s32 $0xB80, s19;
	s1 =	sadd.s32 s3, s18;
	s5 =	sand.u32 $0x1FFFFFF0, s20  }
0x194: {  	[tilespmem:s21], [sflag:$0x1] =	stream.linear.gather [hbm4b:s1+s2], $0x80, $0x38;
	[tilespmem:$0x10400] =	vst v63  }
0x195: {  	s22 =	sadd.s32 $0x8B80, s19;
	s24 =	simm.s32 $0x1;
	s23 =	sadd.s32 s4, s5  }
0x196: {  	[tilespmem:s22], [sflag:$0x2] =	stream.linear.gather [hbm4b:s23+s2], $0x80, $0x38;
	[tilespmem:$0x10400] =	vst v63  }
0x197: {  	_ =	swait.ge [sflag:s24], $0x8000  }
0x198: {  	[sflag:s24] =	ssyncset.done $0x0  }
0x199: {  	s25 =	simm.s32 $0x2;
	[sflag:s24] =	ssyncadd.s32 $0xFFFF8000  }
0x19a: {  	_ =	swait.ge [sflag:s25], $0x8000  }
0x19b: {  	s6 =	simm.s32 $0x400;
	[sflag:s25] =	ssyncset.done $0x0  }
0x19c: {  	s7 =	simm.s32 $0x3;
	s26 =	rddreg [dreg:$0x19];
	[sflag:s25] =	ssyncadd.s32 $0xFFFF8000  }
0x19d: {  	[hbm4b:s26+s2] =	stream.linear.scatter [tilespmem:s6], [sflag:$0x3], $0x8000, $0x38;
	[tilespmem:$0x10400] =	vst v63  }
0x19e: {  	_ =	swait.ge [sflag:s7], $0x8000  }
0x19f: {  	[sflag:s7] =	ssyncset.done $0x0  }
0x1a0: {  	s29 =	simm.s32 $0x8400;
	s28 =	rddreg [dreg:$0x1a];
	[sflag:s7] =	ssyncadd.s32 $0xFFFF8000  }
0x1a1: {  	[hbm4b:s28+s2] =	stream.linear.scatter [tilespmem:s29], [sflag:$0x3], $0x8000, $0x38;
	[tilespmem:$0x10400] =	vst v63  }
0x1a2: {  	_ =	swait.ge [sflag:s7], $0x8000  }
0x1a3: {  	s30 =	rddreg [dreg:$0x1c]  }
0x1a4: {  	s31 =	rddreg [dreg:$0x1b];
	s1 =	sadd.s32 $0x1, s30  }
0x1a5: {  	p0 =	sne.s32 s1, s31  }
.Ltmp2:
0x1a6: {  	_ = 	snop;
	(pc) =	sbr.rel @p0 .LBB2_1-.Ltmp2, $3  }
0x1a7: {  	_ =	sdelay $0x1  }
0x1a8: {  	[sflag:s7] =	ssyncset.done $0x0  }
0x1a9: {  	[sflag:s7] =	ssyncadd.s32 $0xFFFF8000  }
0x1aa: {  	_ =	sfence.sel $0x180000  }
0x1ab: {  	[bflag:$0x0] =	sbarrier.arrive $0xFFFF  }
0x1ac: {  	_ =	strace $0x90000047  }
0x1ad: {  	s0 =	stileid.u32;
	[bflag:$0x2] =	sbarrier.arrive $0xFFFF  }
0x1ae: {  	p0 =	sne.s32 s0, $0x0;
	s0 =	rddreg [dreg:$0x2]  }
0x1af: {  	s0 =	sadd.s32 @!p0 $0x100000, s0  }
0x1b0: {  	[sflag:s0] =	ssyncadd.tile.s32 @!p0 $0x1;
	_ =	shalt  }
.Lfunc_end2:
_tile_overlayer_lowered:
.L_overlay_start_2:
0x1b1: {  	(tag) =	ssettag $0x2  }
0x1b2: {  	s0 =	rddreg [dreg:$0x0];
	s2 =	stileid.u32  }
0x1b3: {  	s1 =	rddreg [dreg:$0x1];
	p0 =	sne.s32 s2, $0x0  }
0x1b4: {  	s3 =	rddreg [dreg:$0x2];
	[bflag:$0x3] =	sbarrier.arrive $0xFFFF;
	s2 =	simm.s32 @!p0 $0x1C03  }
0x1b5: {  	[timem:s3], [sflag:s2] =	dma.local @!p0 [hbm:s0], s1  }
0x1b6: {  	s0 =	simm.s32 @!p0 $0x3  }
0x1b7: {  	_ =	swait.ge @!p0 [sflag:s0], s1  }
0x1b8: {  	s1 =	ssub.s32 @!p0 $0x0, s1;
	[sflag:s0] =	ssyncset.done @!p0 $0x0  }
0x1b9: {  	[sflag:s0] =	ssyncadd.s32 @!p0 s1  }
0x1ba: {  	[bflag:$0x3] =	sbarrier.arrive $0xFFFF  }
0x1bb: {  	_ =	shalt  }

</sc_bundles>
